<compile_context>
chip_gen: v7x
topology: tpu7x:2x2x1
jax: 0.10.2.dev20260603
libtpu: 0.0.44.dev20260713+nightly
codegen_flags: <defaults>
</compile_context>

<pallas_src>
import functools

import jax
import jax.numpy as jnp
from jax import lax
from jax.experimental import pallas as pl
from jax.experimental.pallas import tpu as pltpu
from jax.experimental.pallas import tpu_sc as plsc

N_B = 2
C_CH = 128
IN = 24
NSRC = IN * IN
OUT = 12
NCELL = OUT * OUT
NBAND = 3
ACC_R = NBAND * NCELL
NCORES = 2
NSUB = 16
PER_TILE = 24
ACTIVE = NSRC // PER_TILE
ACC_PER_SUB = ACC_R // NSUB


def _prep_body(x_ref, cv_ref, rows_ref, d3_ref, aux_ref):
    Xt = x_ref[...]
    S = jnp.sum(Xt * Xt, axis=-1)
    r = jnp.sqrt(S)
    M = jnp.maximum(jnp.max(r, axis=1, keepdims=True), 0.0)
    e = jnp.exp(r - M)
    q = lax.broadcasted_iota(jnp.int32, (1, NSRC), 1)
    gi = q // IN
    gj = q - gi * IN
    gx = gi.astype(jnp.float32) / (IN // 2) - 1.0
    gy = gj.astype(jnp.float32) / (IN // 2) - 1.0
    gn = jnp.sqrt(gx * gx + gy * gy)
    gn = jnp.where(gn < 1e-8, 1.0, gn)
    F = jnp.concatenate([gx / gn, gy / gn], axis=0)
    d = F * (1.0 - jnp.tanh(r))
    cv = cv_ref[...].reshape(N_B, 1)
    z = jnp.round((d + 1.0) / cv).astype(jnp.int32)
    dest = z[0:1] * OUT + z[1:2]
    d3_ref[...] = jnp.concatenate(
        [dest, dest + NCELL, dest + 2 * NCELL], axis=1).reshape(NBAND * NSRC)
    e0 = e[0:1].T
    e1 = e[1:2].T
    st = jnp.concatenate(
        [
            e0, e1,
            jnp.ones((NSRC, 1), jnp.float32),
            jnp.zeros((NSRC, C_CH - N_B - 1), jnp.float32),
        ],
        axis=1,
    )
    rows_ref[...] = jnp.concatenate(
        [e0 * Xt[0], e1 * Xt[1], st], axis=0)
    aux_ref[...] = jnp.exp(-M)


def _prep_call(Xt, cv):
    return pl.pallas_call(
        _prep_body,
        out_shape=(
            jax.ShapeDtypeStruct((NBAND * NSRC, C_CH), jnp.float32),
            jax.ShapeDtypeStruct((NBAND * NSRC,), jnp.int32),
            jax.ShapeDtypeStruct((N_B, 1), jnp.float32),
        ),
    )(Xt, cv)


def _scatter_body(rows_hbm, d3_hbm, out_hbm, i_v, b_v, w_v, sem, acc_sh):
    c = lax.axis_index("c")
    s = lax.axis_index("s")
    wid = s * NCORES + c

    @pl.when(wid < ACTIVE)
    def _load():
        base = wid * PER_TILE
        for m in range(NBAND):
            pltpu.async_copy(
                d3_hbm.at[pl.ds(m * NSRC + base, PER_TILE)],
                i_v.at[pl.ds(m * PER_TILE, PER_TILE)], sem)
            pltpu.async_copy(
                rows_hbm.at[pl.ds(m * NSRC + base, PER_TILE)],
                b_v.at[pl.ds(m * PER_TILE, PER_TILE)], sem)

    zero16 = jnp.zeros((16,), jnp.float32)
    for k in range(ACC_PER_SUB):
        for t in range(C_CH // 16):
            w_v[k, pl.ds(t * 16, 16)] = zero16
    pltpu.sync_copy(w_v, acc_sh.at[pl.ds(s * ACC_PER_SUB, ACC_PER_SUB)])
    plsc.subcore_barrier()

    @pl.when(wid < ACTIVE)
    def _scatter():
        pltpu.make_async_copy(
            d3_hbm.at[pl.ds(0, PER_TILE)],
            i_v.at[pl.ds(0, PER_TILE)], sem).wait()
        pltpu.make_async_copy(
            rows_hbm.at[pl.ds(0, PER_TILE)],
            b_v.at[pl.ds(0, PER_TILE)], sem).wait()
        pltpu.make_async_copy(
            d3_hbm.at[pl.ds(0, 2 * PER_TILE)],
            i_v.at[pl.ds(0, 2 * PER_TILE)], sem).wait()
        pltpu.make_async_copy(
            rows_hbm.at[pl.ds(0, 2 * PER_TILE)],
            b_v.at[pl.ds(0, 2 * PER_TILE)], sem).wait()
        pltpu.sync_copy(b_v, acc_sh.at[i_v], add=True)

    plsc.subcore_barrier()

    pltpu.sync_copy(acc_sh.at[pl.ds(s * ACC_PER_SUB, ACC_PER_SUB)],
                    out_hbm.at[c, pl.ds(s * ACC_PER_SUB, ACC_PER_SUB)])


@functools.cache
def _scatter_call():
    mesh = plsc.VectorSubcoreMesh(
        core_axis_name="c", subcore_axis_name="s",
        num_cores=NCORES, num_subcores=NSUB,
    )
    return pl.kernel(
        _scatter_body,
        mesh=mesh,
        out_type=jax.ShapeDtypeStruct((NCORES, ACC_R, C_CH), jnp.float32),
        compiler_params=pltpu.CompilerParams(use_tc_tiling_on_sc=False),
        scratch_types=[
            pltpu.VMEM((NBAND * PER_TILE,), jnp.int32),
            pltpu.VMEM((NBAND * PER_TILE, C_CH), jnp.float32),
            pltpu.VMEM((ACC_PER_SUB, C_CH), jnp.float32),
            pltpu.SemaphoreType.DMA,
            pltpu.VMEM_SHARED((ACC_R, C_CH), jnp.float32),
        ],
    )


def _finish_body(parts_ref, aux_ref, o_ref):
    acc = parts_ref[0] + parts_ref[1]
    st = acc[2 * NCELL:]
    base = float(NSRC) - st[:, 2:3]
    aux = aux_ref[...]
    outs = []
    for n in range(N_B):
        denom = st[:, n:n + 1] + base * aux[n:n + 1]
        numer = acc[n * NCELL:(n + 1) * NCELL]
        outs.append((numer / denom).reshape(NCELL, 1, C_CH))
    o_ref[...] = jnp.concatenate(outs, axis=1)


def _finish_call(parts, aux):
    return pl.pallas_call(
        _finish_body,
        out_shape=jax.ShapeDtypeStruct((NCELL, N_B, C_CH), jnp.float32),
    )(parts, aux)


def kernel(X, field, convert):
    del field
    Xt = jnp.transpose(X, (0, 2, 3, 1)).reshape(N_B, NSRC, C_CH)
    rows, dest3, aux = _prep_call(Xt, convert.reshape(1, N_B))
    parts = _scatter_call()(rows, dest3)
    out = _finish_call(parts, aux)
    return jnp.transpose(out.reshape(OUT, OUT, N_B, C_CH), (2, 3, 0, 1))

# --- scband reference (transcript-rebuilt; emitter-appended) ---
"""Pipeline reference for scband-gravity-field-39462159515776 (READ-ONLY COPY).

The authoritative reference and input builder live on the scoring server;
editing this copy changes nothing except your own understanding.
"""

import jax, jax.numpy as jnp
import numpy as np

EPS = 1e-08
INSIZE = 24
OUTSIZE = 12
N_BATCH = 2
C_CH = 128


def calc_field_vectors(w, h):
    mw, mh = w // 2, h // 2
    x = jnp.repeat(jnp.arange(w), h).astype(jnp.float32) / mw - 1.0
    y = jnp.tile(jnp.arange(h), w).astype(jnp.float32) / mh - 1.0
    v = jnp.stack([x, y])
    n = jnp.linalg.norm(v, axis=0).reshape(1, -1)
    n = jnp.where(n < EPS, 1.0, n)
    v = v / n
    return v.reshape(1, 2, w, h)


def setup_inputs(seed: int = 0) -> dict:
    key = jax.random.key(seed)
    X = jax.random.normal(key, (N_BATCH, C_CH, INSIZE, INSIZE), dtype=jnp.float32)
    field = calc_field_vectors(INSIZE, INSIZE)
    convert = 2.0 / jnp.array([OUTSIZE - 1, OUTSIZE - 1], dtype=jnp.float32).reshape(1, 2, 1, 1)
    return {"X": X, "field": field, "convert": convert}


def reference(X, field, convert):
    N, C, W, H = X.shape
    wo, ho = OUTSIZE, OUTSIZE
    # forward: gravity weights
    w = jnp.tanh(jnp.linalg.norm(X, axis=1))              # (N, W, H)
    d = field * (1.0 - w)                                  # (1, 2, W, H) (broadcast requires N<=2)
    # convert_out: discrete output coordinates
    z = jnp.round((d + 1.0) / convert).astype(jnp.int32)   # (1, 2, W, H)
    # insert_vecs (vectorized scatter; indices (x,y,n,i,j) are unique since (i,j) are part of index)
    Xp = jnp.transpose(X, (2, 3, 0, 1))                    # (W, H, N, C)
    zp = jnp.transpose(z, (2, 3, 1, 0))                    # (W, H, 2, 1)
    xs = zp[:, :, 0, 0]                                    # (W, H)
    ys = zp[:, :, 1, 0]                                    # (W, H)
    n_idx = jnp.arange(N)
    i_idx = jnp.arange(W)
    j_idx = jnp.arange(H)
    out = jnp.zeros((wo, ho, N, W, H, C), dtype=X.dtype)
    out = out.at[xs[:, :, None], ys[:, :, None], n_idx[None, None, :],
                 i_idx[:, None, None], j_idx[None, :, None]].set(Xp)
    out = out.reshape(wo, ho, N, W * H, C)
    # combine: softmax on channel-vector norms over the W*H source axis
    norms = jnp.linalg.norm(out, axis=-1)                  # (wo, ho, N, W*H)
    weights = jax.nn.softmax(norms, axis=-1)[..., None]    # (wo, ho, N, W*H, 1)
    vecs = (weights * out).sum(axis=3)                     # (wo, ho, N, C)
    return jnp.transpose(vecs, (2, 3, 0, 1))               # (N, C, wo, ho)

if __name__ == "__main__":
    import jax
    _d = setup_inputs()
    print(jax.jit(kernel)(*tuple(_d.values())))

</pallas_src>

<mosaic_0001>
#map = affine_map<(d0, d1) -> (0, 0)>
#map1 = affine_map<(d0, d1) -> (0)>
#map2 = affine_map<(d0, d1) -> (0, 0, 0)>
module attributes {stable_mosaic.version = 14 : i64} {
  func.func @_scatter_body(%arg0: i32, %arg1: i32, %arg2: memref<1728x128xf32, #tpu.memory_space<hbm>>, %arg3: memref<1728xi32, #tpu.memory_space<hbm>>, %arg4: memref<2x432x128xf32, #tpu.memory_space<hbm>>, %arg5: memref<72xi32, #tpu.memory_space<vmem>>, %arg6: memref<72x128xf32, #tpu.memory_space<vmem>>, %arg7: memref<27x128xf32, #tpu.memory_space<vmem>>, %arg8: memref<!tpu.dma_semaphore, #tpu.memory_space<semaphore_mem>>, %arg9: memref<432x128xf32, #tpu.memory_space<vmem_shared>>) attributes {dimension_semantics = [#tpu.dimension_semantics<core_parallel>, #tpu.dimension_semantics<subcore_parallel>], iteration_bounds = array<i64: 2, 16>, scalar_prefetch = 0 : i64, scratch_operands = 5 : i64, tpu.core_type = #tpu.core_type<sc_vector_subcore>, window_params = [{transform_indices = #map}, {transform_indices = #map1}, {transform_indices = #map2}]} {
    %mul3A = arith.constant 2 : i32
    %mul3A_0 = arith.muli %arg1, %mul3A : i32
    %add3A = arith.addi %mul3A_0, %arg0 : i32
    %lt3A = arith.constant 24 : i32
    %lt3A_1 = arith.cmpi slt, %add3A, %lt3A : i32
    %convert_element_type3A = arith.extui %lt3A_1 : i1 to i32
    %cond3A = arith.constant 0 : i32
    %cond3A_2 = arith.cmpi ne, %convert_element_type3A, %cond3A : i32
    scf.if %cond3A_2 {
      %mul3A_1311 = arith.constant 24 : i32
      %mul3A_1312 = arith.muli %add3A, %mul3A_1311 : i32
      %add3A_1313 = arith.constant 0 : i32
      %add3A_1314 = arith.addi %add3A_1313, %mul3A_1312 : i32
      %dma_start3A = arith.constant 0 : i32
      %dma_start3A_1315 = tpu.memref_slice %arg5[%dma_start3A] : memref<72xi32, #tpu.memory_space<vmem>> -> memref<24xi32, #tpu.memory_space<vmem>>
      %dma_start3A_1316 = tpu.memref_slice %arg3[%add3A_1314] : memref<1728xi32, #tpu.memory_space<hbm>> -> memref<24xi32, #tpu.memory_space<hbm>>
      %dma_start3A_1317 = arith.constant 0 : i32
      %dma_start3A_1318 = tpu.memref_slice %arg5[%dma_start3A_1317] : memref<72xi32, #tpu.memory_space<vmem>> -> memref<24xi32, #tpu.memory_space<vmem>>
      %dma_start3A_1319 = tpu.memref_slice %arg3[%add3A_1314] : memref<1728xi32, #tpu.memory_space<hbm>> -> memref<24xi32, #tpu.memory_space<hbm>>
      tpu.enqueue_dma source(%dma_start3A_1319 : memref<24xi32, #tpu.memory_space<hbm>>) target(%dma_start3A_1318 : memref<24xi32, #tpu.memory_space<vmem>>) target_semaphore(%arg8 : memref<!tpu.dma_semaphore, #tpu.memory_space<semaphore_mem>>)
      %add3A_1320 = arith.constant 0 : i32
      %add3A_1321 = arith.addi %add3A_1320, %mul3A_1312 : i32
      %dma_start3A_1322 = arith.constant 0 : i32
      %dma_start3A_1323 = arith.constant 0 : i32
      %dma_start3A_1324 = tpu.memref_slice %arg6[%dma_start3A_1322, %dma_start3A_1323] : memref<72x128xf32, #tpu.memory_space<vmem>> -> memref<24x128xf32, #tpu.memory_space<vmem>>
      %dma_start3A_1325 = arith.constant 0 : i32
      %dma_start3A_1326 = tpu.memref_slice %arg2[%add3A_1321, %dma_start3A_1325] : memref<1728x128xf32, #tpu.memory_space<hbm>> -> memref<24x128xf32, #tpu.memory_space<hbm>>
      %dma_start3A_1327 = arith.constant 0 : i32
      %dma_start3A_1328 = arith.constant 0 : i32
      %dma_start3A_1329 = tpu.memref_slice %arg6[%dma_start3A_1327, %dma_start3A_1328] : memref<72x128xf32, #tpu.memory_space<vmem>> -> memref<24x128xf32, #tpu.memory_space<vmem>>
      %dma_start3A_1330 = arith.constant 0 : i32
      %dma_start3A_1331 = tpu.memref_slice %arg2[%add3A_1321, %dma_start3A_1330] : memref<1728x128xf32, #tpu.memory_space<hbm>> -> memref<24x128xf32, #tpu.memory_space<hbm>>
      tpu.enqueue_dma source(%dma_start3A_1331 : memref<24x128xf32, #tpu.memory_space<hbm>>) target(%dma_start3A_1329 : memref<24x128xf32, #tpu.memory_space<vmem>>) target_semaphore(%arg8 : memref<!tpu.dma_semaphore, #tpu.memory_space<semaphore_mem>>)
      %add3A_1332 = arith.constant 576 : i32
      %add3A_1333 = arith.addi %add3A_1332, %mul3A_1312 : i32
      %dma_start3A_1334 = arith.constant 24 : i32
      %dma_start3A_1335 = tpu.memref_slice %arg5[%dma_start3A_1334] : memref<72xi32, #tpu.memory_space<vmem>> -> memref<24xi32, #tpu.memory_space<vmem>>
      %dma_start3A_1336 = tpu.memref_slice %arg3[%add3A_1333] : memref<1728xi32, #tpu.memory_space<hbm>> -> memref<24xi32, #tpu.memory_space<hbm>>
      %dma_start3A_1337 = arith.constant 24 : i32
      %dma_start3A_1338 = tpu.memref_slice %arg5[%dma_start3A_1337] : memref<72xi32, #tpu.memory_space<vmem>> -> memref<24xi32, #tpu.memory_space<vmem>>
      %dma_start3A_1339 = tpu.memref_slice %arg3[%add3A_1333] : memref<1728xi32, #tpu.memory_space<hbm>> -> memref<24xi32, #tpu.memory_space<hbm>>
      tpu.enqueue_dma source(%dma_start3A_1339 : memref<24xi32, #tpu.memory_space<hbm>>) target(%dma_start3A_1338 : memref<24xi32, #tpu.memory_space<vmem>>) target_semaphore(%arg8 : memref<!tpu.dma_semaphore, #tpu.memory_space<semaphore_mem>>)
      %add3A_1340 = arith.constant 576 : i32
      %add3A_1341 = arith.addi %add3A_1340, %mul3A_1312 : i32
      %dma_start3A_1342 = arith.constant 24 : i32
      %dma_start3A_1343 = arith.constant 0 : i32
      %dma_start3A_1344 = tpu.memref_slice %arg6[%dma_start3A_1342, %dma_start3A_1343] : memref<72x128xf32, #tpu.memory_space<vmem>> -> memref<24x128xf32, #tpu.memory_space<vmem>>
      %dma_start3A_1345 = arith.constant 0 : i32
      %dma_start3A_1346 = tpu.memref_slice %arg2[%add3A_1341, %dma_start3A_1345] : memref<1728x128xf32, #tpu.memory_space<hbm>> -> memref<24x128xf32, #tpu.memory_space<hbm>>
      %dma_start3A_1347 = arith.constant 24 : i32
      %dma_start3A_1348 = arith.constant 0 : i32
      %dma_start3A_1349 = tpu.memref_slice %arg6[%dma_start3A_1347, %dma_start3A_1348] : memref<72x128xf32, #tpu.memory_space<vmem>> -> memref<24x128xf32, #tpu.memory_space<vmem>>
      %dma_start3A_1350 = arith.constant 0 : i32
      %dma_start3A_1351 = tpu.memref_slice %arg2[%add3A_1341, %dma_start3A_1350] : memref<1728x128xf32, #tpu.memory_space<hbm>> -> memref<24x128xf32, #tpu.memory_space<hbm>>
      tpu.enqueue_dma source(%dma_start3A_1351 : memref<24x128xf32, #tpu.memory_space<hbm>>) target(%dma_start3A_1349 : memref<24x128xf32, #tpu.memory_space<vmem>>) target_semaphore(%arg8 : memref<!tpu.dma_semaphore, #tpu.memory_space<semaphore_mem>>)
      %add3A_1352 = arith.constant 1152 : i32
      %add3A_1353 = arith.addi %add3A_1352, %mul3A_1312 : i32
      %dma_start3A_1354 = arith.constant 48 : i32
      %dma_start3A_1355 = tpu.memref_slice %arg5[%dma_start3A_1354] : memref<72xi32, #tpu.memory_space<vmem>> -> memref<24xi32, #tpu.memory_space<vmem>>
      %dma_start3A_1356 = tpu.memref_slice %arg3[%add3A_1353] : memref<1728xi32, #tpu.memory_space<hbm>> -> memref<24xi32, #tpu.memory_space<hbm>>
      %dma_start3A_1357 = arith.constant 48 : i32
      %dma_start3A_1358 = tpu.memref_slice %arg5[%dma_start3A_1357] : memref<72xi32, #tpu.memory_space<vmem>> -> memref<24xi32, #tpu.memory_space<vmem>>
      %dma_start3A_1359 = tpu.memref_slice %arg3[%add3A_1353] : memref<1728xi32, #tpu.memory_space<hbm>> -> memref<24xi32, #tpu.memory_space<hbm>>
      tpu.enqueue_dma source(%dma_start3A_1359 : memref<24xi32, #tpu.memory_space<hbm>>) target(%dma_start3A_1358 : memref<24xi32, #tpu.memory_space<vmem>>) target_semaphore(%arg8 : memref<!tpu.dma_semaphore, #tpu.memory_space<semaphore_mem>>)
      %add3A_1360 = arith.constant 1152 : i32
      %add3A_1361 = arith.addi %add3A_1360, %mul3A_1312 : i32
      %dma_start3A_1362 = arith.constant 48 : i32
      %dma_start3A_1363 = arith.constant 0 : i32
      %dma_start3A_1364 = tpu.memref_slice %arg6[%dma_start3A_1362, %dma_start3A_1363] : memref<72x128xf32, #tpu.memory_space<vmem>> -> memref<24x128xf32, #tpu.memory_space<vmem>>
      %dma_start3A_1365 = arith.constant 0 : i32
      %dma_start3A_1366 = tpu.memref_slice %arg2[%add3A_1361, %dma_start3A_1365] : memref<1728x128xf32, #tpu.memory_space<hbm>> -> memref<24x128xf32, #tpu.memory_space<hbm>>
      %dma_start3A_1367 = arith.constant 48 : i32
      %dma_start3A_1368 = arith.constant 0 : i32
      %dma_start3A_1369 = tpu.memref_slice %arg6[%dma_start3A_1367, %dma_start3A_1368] : memref<72x128xf32, #tpu.memory_space<vmem>> -> memref<24x128xf32, #tpu.memory_space<vmem>>
      %dma_start3A_1370 = arith.constant 0 : i32
      %dma_start3A_1371 = tpu.memref_slice %arg2[%add3A_1361, %dma_start3A_1370] : memref<1728x128xf32, #tpu.memory_space<hbm>> -> memref<24x128xf32, #tpu.memory_space<hbm>>
      tpu.enqueue_dma source(%dma_start3A_1371 : memref<24x128xf32, #tpu.memory_space<hbm>>) target(%dma_start3A_1369 : memref<24x128xf32, #tpu.memory_space<vmem>>) target_semaphore(%arg8 : memref<!tpu.dma_semaphore, #tpu.memory_space<semaphore_mem>>)
    } else {
    }
    %broadcast_in_dim3A = arith.constant 0.000000e+00 : f32
    %broadcast_in_dim3A_3 = vector.broadcast %broadcast_in_dim3A : f32 to vector<16xf32>
    %swap3A = arith.constant 0 : i32
    %swap3A_4 = arith.index_cast %swap3A : i32 to index
    %swap3A_5 = arith.constant 0 : index
    %swap3A_6 = tpu.vector_load %arg7[%swap3A_4, %swap3A_5] {strides = array<i32>} : memref<27x128xf32, #tpu.memory_space<vmem>>, vector<1x16xf32>,
    %swap3A_7 = vector.shape_cast %swap3A_6 : vector<1x16xf32> to vector<16xf32>
    %swap3A_8 = vector.shape_cast %broadcast_in_dim3A_3 : vector<16xf32> to vector<1x16xf32>
    tpu.vector_store %arg7[%swap3A_4, %swap3A_5], %swap3A_8 {strides = array<i32>} : memref<27x128xf32, #tpu.memory_space<vmem>>, vector<1x16xf32>,
    %swap3A_9 = arith.constant 0 : i32
    %swap3A_10 = arith.index_cast %swap3A_9 : i32 to index
    %swap3A_11 = arith.constant 16 : index
    %swap3A_12 = tpu.vector_load %arg7[%swap3A_10, %swap3A_11] {strides = array<i32>} : memref<27x128xf32, #tpu.memory_space<vmem>>, vector<1x16xf32>,
    %swap3A_13 = vector.shape_cast %swap3A_12 : vector<1x16xf32> to vector<16xf32>
    %swap3A_14 = vector.shape_cast %broadcast_in_dim3A_3 : vector<16xf32> to vector<1x16xf32>
    tpu.vector_store %arg7[%swap3A_10, %swap3A_11], %swap3A_14 {strides = array<i32>} : memref<27x128xf32, #tpu.memory_space<vmem>>, vector<1x16xf32>,
    %swap3A_15 = arith.constant 0 : i32
    %swap3A_16 = arith.index_cast %swap3A_15 : i32 to index
    %swap3A_17 = arith.constant 32 : index
    %swap3A_18 = tpu.vector_load %arg7[%swap3A_16, %swap3A_17] {strides = array<i32>} : memref<27x128xf32, #tpu.memory_space<vmem>>, vector<1x16xf32>,
    %swap3A_19 = vector.shape_cast %swap3A_18 : vector<1x16xf32> to vector<16xf32>
    %swap3A_20 = vector.shape_cast %broadcast_in_dim3A_3 : vector<16xf32> to vector<1x16xf32>
    tpu.vector_store %arg7[%swap3A_16, %swap3A_17], %swap3A_20 {strides = array<i32>} : memref<27x128xf32, #tpu.memory_space<vmem>>, vector<1x16xf32>,
    %swap3A_21 = arith.constant 0 : i32
    %swap3A_22 = arith.index_cast %swap3A_21 : i32 to index
    %swap3A_23 = arith.constant 48 : index
    %swap3A_24 = tpu.vector_load %arg7[%swap3A_22, %swap3A_23] {strides = array<i32>} : memref<27x128xf32, #tpu.memory_space<vmem>>, vector<1x16xf32>,
    %swap3A_25 = vector.shape_cast %swap3A_24 : vector<1x16xf32> to vector<16xf32>
    %swap3A_26 = vector.shape_cast %broadcast_in_dim3A_3 : vector<16xf32> to vector<1x16xf32>
    tpu.vector_store %arg7[%swap3A_22, %swap3A_23], %swap3A_26 {strides = array<i32>} : memref<27x128xf32, #tpu.memory_space<vmem>>, vector<1x16xf32>,
    %swap3A_27 = arith.constant 0 : i32
    %swap3A_28 = arith.index_cast %swap3A_27 : i32 to index
    %swap3A_29 = arith.constant 64 : index
    %swap3A_30 = tpu.vector_load %arg7[%swap3A_28, %swap3A_29] {strides = array<i32>} : memref<27x128xf32, #tpu.memory_space<vmem>>, vector<1x16xf32>,
    %swap3A_31 = vector.shape_cast %swap3A_30 : vector<1x16xf32> to vector<16xf32>
    %swap3A_32 = vector.shape_cast %broadcast_in_dim3A_3 : vector<16xf32> to vector<1x16xf32>
    tpu.vector_store %arg7[%swap3A_28, %swap3A_29], %swap3A_32 {strides = array<i32>} : memref<27x128xf32, #tpu.memory_space<vmem>>, vector<1x16xf32>,
    %swap3A_33 = arith.constant 0 : i32
    %swap3A_34 = arith.index_cast %swap3A_33 : i32 to index
    %swap3A_35 = arith.constant 80 : index
    %swap3A_36 = tpu.vector_load %arg7[%swap3A_34, %swap3A_35] {strides = array<i32>} : memref<27x128xf32, #tpu.memory_space<vmem>>, vector<1x16xf32>,
    %swap3A_37 = vector.shape_cast %swap3A_36 : vector<1x16xf32> to vector<16xf32>
    %swap3A_38 = vector.shape_cast %broadcast_in_dim3A_3 : vector<16xf32> to vector<1x16xf32>
    tpu.vector_store %arg7[%swap3A_34, %swap3A_35], %swap3A_38 {strides = array<i32>} : memref<27x128xf32, #tpu.memory_space<vmem>>, vector<1x16xf32>,
    %swap3A_39 = arith.constant 0 : i32
    %swap3A_40 = arith.index_cast %swap3A_39 : i32 to index
    %swap3A_41 = arith.constant 96 : index
    %swap3A_42 = tpu.vector_load %arg7[%swap3A_40, %swap3A_41] {strides = array<i32>} : memref<27x128xf32, #tpu.memory_space<vmem>>, vector<1x16xf32>,
    %swap3A_43 = vector.shape_cast %swap3A_42 : vector<1x16xf32> to vector<16xf32>
    %swap3A_44 = vector.shape_cast %broadcast_in_dim3A_3 : vector<16xf32> to vector<1x16xf32>
    tpu.vector_store %arg7[%swap3A_40, %swap3A_41], %swap3A_44 {strides = array<i32>} : memref<27x128xf32, #tpu.memory_space<vmem>>, vector<1x16xf32>,
    %swap3A_45 = arith.constant 0 : i32
    %swap3A_46 = arith.index_cast %swap3A_45 : i32 to index
    %swap3A_47 = arith.constant 112 : index
    %swap3A_48 = tpu.vector_load %arg7[%swap3A_46, %swap3A_47] {strides = array<i32>} : memref<27x128xf32, #tpu.memory_space<vmem>>, vector<1x16xf32>,
    %swap3A_49 = vector.shape_cast %swap3A_48 : vector<1x16xf32> to vector<16xf32>
    %swap3A_50 = vector.shape_cast %broadcast_in_dim3A_3 : vector<16xf32> to vector<1x16xf32>
    tpu.vector_store %arg7[%swap3A_46, %swap3A_47], %swap3A_50 {strides = array<i32>} : memref<27x128xf32, #tpu.memory_space<vmem>>, vector<1x16xf32>,
    %swap3A_51 = arith.constant 1 : i32
    %swap3A_52 = arith.index_cast %swap3A_51 : i32 to index
    %swap3A_53 = arith.constant 0 : index
    %swap3A_54 = tpu.vector_load %arg7[%swap3A_52, %swap3A_53] {strides = array<i32>} : memref<27x128xf32, #tpu.memory_space<vmem>>, vector<1x16xf32>,
    %swap3A_55 = vector.shape_cast %swap3A_54 : vector<1x16xf32> to vector<16xf32>
    %swap3A_56 = vector.shape_cast %broadcast_in_dim3A_3 : vector<16xf32> to vector<1x16xf32>
    tpu.vector_store %arg7[%swap3A_52, %swap3A_53], %swap3A_56 {strides = array<i32>} : memref<27x128xf32, #tpu.memory_space<vmem>>, vector<1x16xf32>,
    %swap3A_57 = arith.constant 1 : i32
    %swap3A_58 = arith.index_cast %swap3A_57 : i32 to index
    %swap3A_59 = arith.constant 16 : index
    %swap3A_60 = tpu.vector_load %arg7[%swap3A_58, %swap3A_59] {strides = array<i32>} : memref<27x128xf32, #tpu.memory_space<vmem>>, vector<1x16xf32>,
    %swap3A_61 = vector.shape_cast %swap3A_60 : vector<1x16xf32> to vector<16xf32>
    %swap3A_62 = vector.shape_cast %broadcast_in_dim3A_3 : vector<16xf32> to vector<1x16xf32>
    tpu.vector_store %arg7[%swap3A_58, %swap3A_59], %swap3A_62 {strides = array<i32>} : memref<27x128xf32, #tpu.memory_space<vmem>>, vector<1x16xf32>,
    %swap3A_63 = arith.constant 1 : i32
    %swap3A_64 = arith.index_cast %swap3A_63 : i32 to index
    %swap3A_65 = arith.constant 32 : index
    %swap3A_66 = tpu.vector_load %arg7[%swap3A_64, %swap3A_65] {strides = array<i32>} : memref<27x128xf32, #tpu.memory_space<vmem>>, vector<1x16xf32>,
    %swap3A_67 = vector.shape_cast %swap3A_66 : vector<1x16xf32> to vector<16xf32>
    %swap3A_68 = vector.shape_cast %broadcast_in_dim3A_3 : vector<16xf32> to vector<1x16xf32>
    tpu.vector_store %arg7[%swap3A_64, %swap3A_65], %swap3A_68 {strides = array<i32>} : memref<27x128xf32, #tpu.memory_space<vmem>>, vector<1x16xf32>,
    %swap3A_69 = arith.constant 1 : i32
    %swap3A_70 = arith.index_cast %swap3A_69 : i32 to index
    %swap3A_71 = arith.constant 48 : index
    %swap3A_72 = tpu.vector_load %arg7[%swap3A_70, %swap3A_71] {strides = array<i32>} : memref<27x128xf32, #tpu.memory_space<vmem>>, vector<1x16xf32>,
    %swap3A_73 = vector.shape_cast %swap3A_72 : vector<1x16xf32> to vector<16xf32>
    %swap3A_74 = vector.shape_cast %broadcast_in_dim3A_3 : vector<16xf32> to vector<1x16xf32>
    tpu.vector_store %arg7[%swap3A_70, %swap3A_71], %swap3A_74 {strides = array<i32>} : memref<27x128xf32, #tpu.memory_space<vmem>>, vector<1x16xf32>,
    %swap3A_75 = arith.constant 1 : i32
    %swap3A_76 = arith.index_cast %swap3A_75 : i32 to index
    %swap3A_77 = arith.constant 64 : index
    %swap3A_78 = tpu.vector_load %arg7[%swap3A_76, %swap3A_77] {strides = array<i32>} : memref<27x128xf32, #tpu.memory_space<vmem>>, vector<1x16xf32>,
    %swap3A_79 = vector.shape_cast %swap3A_78 : vector<1x16xf32> to vector<16xf32>
    %swap3A_80 = vector.shape_cast %broadcast_in_dim3A_3 : vector<16xf32> to vector<1x16xf32>
    tpu.vector_store %arg7[%swap3A_76, %swap3A_77], %swap3A_80 {strides = array<i32>} : memref<27x128xf32, #tpu.memory_space<vmem>>, vector<1x16xf32>,
    %swap3A_81 = arith.constant 1 : i32
    %swap3A_82 = arith.index_cast %swap3A_81 : i32 to index
    %swap3A_83 = arith.constant 80 : index
    %swap3A_84 = tpu.vector_load %arg7[%swap3A_82, %swap3A_83] {strides = array<i32>} : memref<27x128xf32, #tpu.memory_space<vmem>>, vector<1x16xf32>,
    %swap3A_85 = vector.shape_cast %swap3A_84 : vector<1x16xf32> to vector<16xf32>
    %swap3A_86 = vector.shape_cast %broadcast_in_dim3A_3 : vector<16xf32> to vector<1x16xf32>
    tpu.vector_store %arg7[%swap3A_82, %swap3A_83], %swap3A_86 {strides = array<i32>} : memref<27x128xf32, #tpu.memory_space<vmem>>, vector<1x16xf32>,
    %swap3A_87 = arith.constant 1 : i32
    %swap3A_88 = arith.index_cast %swap3A_87 : i32 to index
    %swap3A_89 = arith.constant 96 : index
    %swap3A_90 = tpu.vector_load %arg7[%swap3A_88, %swap3A_89] {strides = array<i32>} : memref<27x128xf32, #tpu.memory_space<vmem>>, vector<1x16xf32>,
    %swap3A_91 = vector.shape_cast %swap3A_90 : vector<1x16xf32> to vector<16xf32>
    %swap3A_92 = vector.shape_cast %broadcast_in_dim3A_3 : vector<16xf32> to vector<1x16xf32>
    tpu.vector_store %arg7[%swap3A_88, %swap3A_89], %swap3A_92 {strides = array<i32>} : memref<27x128xf32, #tpu.memory_space<vmem>>, vector<1x16xf32>,
    %swap3A_93 = arith.constant 1 : i32
    %swap3A_94 = arith.index_cast %swap3A_93 : i32 to index
    %swap3A_95 = arith.constant 112 : index
    %swap3A_96 = tpu.vector_load %arg7[%swap3A_94, %swap3A_95] {strides = array<i32>} : memref<27x128xf32, #tpu.memory_space<vmem>>, vector<1x16xf32>,
    %swap3A_97 = vector.shape_cast %swap3A_96 : vector<1x16xf32> to vector<16xf32>
    %swap3A_98 = vector.shape_cast %broadcast_in_dim3A_3 : vector<16xf32> to vector<1x16xf32>
    tpu.vector_store %arg7[%swap3A_94, %swap3A_95], %swap3A_98 {strides = array<i32>} : memref<27x128xf32, #tpu.memory_space<vmem>>, vector<1x16xf32>,
    %swap3A_99 = arith.constant 2 : i32
    %swap3A_100 = arith.index_cast %swap3A_99 : i32 to index
    %swap3A_101 = arith.constant 0 : index
    %swap3A_102 = tpu.vector_load %arg7[%swap3A_100, %swap3A_101] {strides = array<i32>} : memref<27x128xf32, #tpu.memory_space<vmem>>, vector<1x16xf32>,
    %swap3A_103 = vector.shape_cast %swap3A_102 : vector<1x16xf32> to vector<16xf32>
    %swap3A_104 = vector.shape_cast %broadcast_in_dim3A_3 : vector<16xf32> to vector<1x16xf32>
    tpu.vector_store %arg7[%swap3A_100, %swap3A_101], %swap3A_104 {strides = array<i32>} : memref<27x128xf32, #tpu.memory_space<vmem>>, vector<1x16xf32>,
    %swap3A_105 = arith.constant 2 : i32
    %swap3A_106 = arith.index_cast %swap3A_105 : i32 to index
    %swap3A_107 = arith.constant 16 : index
    %swap3A_108 = tpu.vector_load %arg7[%swap3A_106, %swap3A_107] {strides = array<i32>} : memref<27x128xf32, #tpu.memory_space<vmem>>, vector<1x16xf32>,
    %swap3A_109 = vector.shape_cast %swap3A_108 : vector<1x16xf32> to vector<16xf32>
    %swap3A_110 = vector.shape_cast %broadcast_in_dim3A_3 : vector<16xf32> to vector<1x16xf32>
    tpu.vector_store %arg7[%swap3A_106, %swap3A_107], %swap3A_110 {strides = array<i32>} : memref<27x128xf32, #tpu.memory_space<vmem>>, vector<1x16xf32>,
    %swap3A_111 = arith.constant 2 : i32
    %swap3A_112 = arith.index_cast %swap3A_111 : i32 to index
    %swap3A_113 = arith.constant 32 : index
    %swap3A_114 = tpu.vector_load %arg7[%swap3A_112, %swap3A_113] {strides = array<i32>} : memref<27x128xf32, #tpu.memory_space<vmem>>, vector<1x16xf32>,
    %swap3A_115 = vector.shape_cast %swap3A_114 : vector<1x16xf32> to vector<16xf32>
    %swap3A_116 = vector.shape_cast %broadcast_in_dim3A_3 : vector<16xf32> to vector<1x16xf32>
    tpu.vector_store %arg7[%swap3A_112, %swap3A_113], %swap3A_116 {strides = array<i32>} : memref<27x128xf32, #tpu.memory_space<vmem>>, vector<1x16xf32>,
    %swap3A_117 = arith.constant 2 : i32
    %swap3A_118 = arith.index_cast %swap3A_117 : i32 to index
    %swap3A_119 = arith.constant 48 : index
    %swap3A_120 = tpu.vector_load %arg7[%swap3A_118, %swap3A_119] {strides = array<i32>} : memref<27x128xf32, #tpu.memory_space<vmem>>, vector<1x16xf32>,
    %swap3A_121 = vector.shape_cast %swap3A_120 : vector<1x16xf32> to vector<16xf32>
    %swap3A_122 = vector.shape_cast %broadcast_in_dim3A_3 : vector<16xf32> to vector<1x16xf32>
    tpu.vector_store %arg7[%swap3A_118, %swap3A_119], %swap3A_122 {strides = array<i32>} : memref<27x128xf32, #tpu.memory_space<vmem>>, vector<1x16xf32>,
    %swap3A_123 = arith.constant 2 : i32
    %swap3A_124 = arith.index_cast %swap3A_123 : i32 to index
    %swap3A_125 = arith.constant 64 : index
    %swap3A_126 = tpu.vector_load %arg7[%swap3A_124, %swap3A_125] {strides = array<i32>} : memref<27x128xf32, #tpu.memory_space<vmem>>, vector<1x16xf32>,
    %swap3A_127 = vector.shape_cast %swap3A_126 : vector<1x16xf32> to vector<16xf32>
    %swap3A_128 = vector.shape_cast %broadcast_in_dim3A_3 : vector<16xf32> to vector<1x16xf32>
    tpu.vector_store %arg7[%swap3A_124, %swap3A_125], %swap3A_128 {strides = array<i32>} : memref<27x128xf32, #tpu.memory_space<vmem>>, vector<1x16xf32>,
    %swap3A_129 = arith.constant 2 : i32
    %swap3A_130 = arith.index_cast %swap3A_129 : i32 to index
    %swap3A_131 = arith.constant 80 : index
    %swap3A_132 = tpu.vector_load %arg7[%swap3A_130, %swap3A_131] {strides = array<i32>} : memref<27x128xf32, #tpu.memory_space<vmem>>, vector<1x16xf32>,
    %swap3A_133 = vector.shape_cast %swap3A_132 : vector<1x16xf32> to vector<16xf32>
    %swap3A_134 = vector.shape_cast %broadcast_in_dim3A_3 : vector<16xf32> to vector<1x16xf32>
    tpu.vector_store %arg7[%swap3A_130, %swap3A_131], %swap3A_134 {strides = array<i32>} : memref<27x128xf32, #tpu.memory_space<vmem>>, vector<1x16xf32>,
    %swap3A_135 = arith.constant 2 : i32
    %swap3A_136 = arith.index_cast %swap3A_135 : i32 to index
    %swap3A_137 = arith.constant 96 : index
    %swap3A_138 = tpu.vector_load %arg7[%swap3A_136, %swap3A_137] {strides = array<i32>} : memref<27x128xf32, #tpu.memory_space<vmem>>, vector<1x16xf32>,
    %swap3A_139 = vector.shape_cast %swap3A_138 : vector<1x16xf32> to vector<16xf32>
    %swap3A_140 = vector.shape_cast %broadcast_in_dim3A_3 : vector<16xf32> to vector<1x16xf32>
    tpu.vector_store %arg7[%swap3A_136, %swap3A_137], %swap3A_140 {strides = array<i32>} : memref<27x128xf32, #tpu.memory_space<vmem>>, vector<1x16xf32>,
    %swap3A_141 = arith.constant 2 : i32
    %swap3A_142 = arith.index_cast %swap3A_141 : i32 to index
    %swap3A_143 = arith.constant 112 : index
    %swap3A_144 = tpu.vector_load %arg7[%swap3A_142, %swap3A_143] {strides = array<i32>} : memref<27x128xf32, #tpu.memory_space<vmem>>, vector<1x16xf32>,
    %swap3A_145 = vector.shape_cast %swap3A_144 : vector<1x16xf32> to vector<16xf32>
    %swap3A_146 = vector.shape_cast %broadcast_in_dim3A_3 : vector<16xf32> to vector<1x16xf32>
    tpu.vector_store %arg7[%swap3A_142, %swap3A_143], %swap3A_146 {strides = array<i32>} : memref<27x128xf32, #tpu.memory_space<vmem>>, vector<1x16xf32>,
    %swap3A_147 = arith.constant 3 : i32
    %swap3A_148 = arith.index_cast %swap3A_147 : i32 to index
    %swap3A_149 = arith.constant 0 : index
    %swap3A_150 = tpu.vector_load %arg7[%swap3A_148, %swap3A_149] {strides = array<i32>} : memref<27x128xf32, #tpu.memory_space<vmem>>, vector<1x16xf32>,
    %swap3A_151 = vector.shape_cast %swap3A_150 : vector<1x16xf32> to vector<16xf32>
    %swap3A_152 = vector.shape_cast %broadcast_in_dim3A_3 : vector<16xf32> to vector<1x16xf32>
    tpu.vector_store %arg7[%swap3A_148, %swap3A_149], %swap3A_152 {strides = array<i32>} : memref<27x128xf32, #tpu.memory_space<vmem>>, vector<1x16xf32>,
    %swap3A_153 = arith.constant 3 : i32
    %swap3A_154 = arith.index_cast %swap3A_153 : i32 to index
    %swap3A_155 = arith.constant 16 : index
    %swap3A_156 = tpu.vector_load %arg7[%swap3A_154, %swap3A_155] {strides = array<i32>} : memref<27x128xf32, #tpu.memory_space<vmem>>, vector<1x16xf32>,
    %swap3A_157 = vector.shape_cast %swap3A_156 : vector<1x16xf32> to vector<16xf32>
    %swap3A_158 = vector.shape_cast %broadcast_in_dim3A_3 : vector<16xf32> to vector<1x16xf32>
    tpu.vector_store %arg7[%swap3A_154, %swap3A_155], %swap3A_158 {strides = array<i32>} : memref<27x128xf32, #tpu.memory_space<vmem>>, vector<1x16xf32>,
    %swap3A_159 = arith.constant 3 : i32
    %swap3A_160 = arith.index_cast %swap3A_159 : i32 to index
    %swap3A_161 = arith.constant 32 : index
    %swap3A_162 = tpu.vector_load %arg7[%swap3A_160, %swap3A_161] {strides = array<i32>} : memref<27x128xf32, #tpu.memory_space<vmem>>, vector<1x16xf32>,
    %swap3A_163 = vector.shape_cast %swap3A_162 : vector<1x16xf32> to vector<16xf32>
    %swap3A_164 = vector.shape_cast %broadcast_in_dim3A_3 : vector<16xf32> to vector<1x16xf32>
    tpu.vector_store %arg7[%swap3A_160, %swap3A_161], %swap3A_164 {strides = array<i32>} : memref<27x128xf32, #tpu.memory_space<vmem>>, vector<1x16xf32>,
    %swap3A_165 = arith.constant 3 : i32
    %swap3A_166 = arith.index_cast %swap3A_165 : i32 to index
    %swap3A_167 = arith.constant 48 : index
    %swap3A_168 = tpu.vector_load %arg7[%swap3A_166, %swap3A_167] {strides = array<i32>} : memref<27x128xf32, #tpu.memory_space<vmem>>, vector<1x16xf32>,
    %swap3A_169 = vector.shape_cast %swap3A_168 : vector<1x16xf32> to vector<16xf32>
    %swap3A_170 = vector.shape_cast %broadcast_in_dim3A_3 : vector<16xf32> to vector<1x16xf32>
    tpu.vector_store %arg7[%swap3A_166, %swap3A_167], %swap3A_170 {strides = array<i32>} : memref<27x128xf32, #tpu.memory_space<vmem>>, vector<1x16xf32>,
    %swap3A_171 = arith.constant 3 : i32
    %swap3A_172 = arith.index_cast %swap3A_171 : i32 to index
    %swap3A_173 = arith.constant 64 : index
    %swap3A_174 = tpu.vector_load %arg7[%swap3A_172, %swap3A_173] {strides = array<i32>} : memref<27x128xf32, #tpu.memory_space<vmem>>, vector<1x16xf32>,
    %swap3A_175 = vector.shape_cast %swap3A_174 : vector<1x16xf32> to vector<16xf32>
    %swap3A_176 = vector.shape_cast %broadcast_in_dim3A_3 : vector<16xf32> to vector<1x16xf32>
    tpu.vector_store %arg7[%swap3A_172, %swap3A_173], %swap3A_176 {strides = array<i32>} : memref<27x128xf32, #tpu.memory_space<vmem>>, vector<1x16xf32>,
    %swap3A_177 = arith.constant 3 : i32
    %swap3A_178 = arith.index_cast %swap3A_177 : i32 to index
    %swap3A_179 = arith.constant 80 : index
    %swap3A_180 = tpu.vector_load %arg7[%swap3A_178, %swap3A_179] {strides = array<i32>} : memref<27x128xf32, #tpu.memory_space<vmem>>, vector<1x16xf32>,
    %swap3A_181 = vector.shape_cast %swap3A_180 : vector<1x16xf32> to vector<16xf32>
    %swap3A_182 = vector.shape_cast %broadcast_in_dim3A_3 : vector<16xf32> to vector<1x16xf32>
    tpu.vector_store %arg7[%swap3A_178, %swap3A_179], %swap3A_182 {strides = array<i32>} : memref<27x128xf32, #tpu.memory_space<vmem>>, vector<1x16xf32>,
    %swap3A_183 = arith.constant 3 : i32
    %swap3A_184 = arith.index_cast %swap3A_183 : i32 to index
    %swap3A_185 = arith.constant 96 : index
    %swap3A_186 = tpu.vector_load %arg7[%swap3A_184, %swap3A_185] {strides = array<i32>} : memref<27x128xf32, #tpu.memory_space<vmem>>, vector<1x16xf32>,
    %swap3A_187 = vector.shape_cast %swap3A_186 : vector<1x16xf32> to vector<16xf32>
    %swap3A_188 = vector.shape_cast %broadcast_in_dim3A_3 : vector<16xf32> to vector<1x16xf32>
    tpu.vector_store %arg7[%swap3A_184, %swap3A_185], %swap3A_188 {strides = array<i32>} : memref<27x128xf32, #tpu.memory_space<vmem>>, vector<1x16xf32>,
    %swap3A_189 = arith.constant 3 : i32
    %swap3A_190 = arith.index_cast %swap3A_189 : i32 to index
    %swap3A_191 = arith.constant 112 : index
    %swap3A_192 = tpu.vector_load %arg7[%swap3A_190, %swap3A_191] {strides = array<i32>} : memref<27x128xf32, #tpu.memory_space<vmem>>, vector<1x16xf32>,
    %swap3A_193 = vector.shape_cast %swap3A_192 : vector<1x16xf32> to vector<16xf32>
    %swap3A_194 = vector.shape_cast %broadcast_in_dim3A_3 : vector<16xf32> to vector<1x16xf32>
    tpu.vector_store %arg7[%swap3A_190, %swap3A_191], %swap3A_194 {strides = array<i32>} : memref<27x128xf32, #tpu.memory_space<vmem>>, vector<1x16xf32>,
    %swap3A_195 = arith.constant 4 : i32
    %swap3A_196 = arith.index_cast %swap3A_195 : i32 to index
    %swap3A_197 = arith.constant 0 : index
    %swap3A_198 = tpu.vector_load %arg7[%swap3A_196, %swap3A_197] {strides = array<i32>} : memref<27x128xf32, #tpu.memory_space<vmem>>, vector<1x16xf32>,
    %swap3A_199 = vector.shape_cast %swap3A_198 : vector<1x16xf32> to vector<16xf32>
    %swap3A_200 = vector.shape_cast %broadcast_in_dim3A_3 : vector<16xf32> to vector<1x16xf32>
    tpu.vector_store %arg7[%swap3A_196, %swap3A_197], %swap3A_200 {strides = array<i32>} : memref<27x128xf32, #tpu.memory_space<vmem>>, vector<1x16xf32>,
    %swap3A_201 = arith.constant 4 : i32
    %swap3A_202 = arith.index_cast %swap3A_201 : i32 to index
    %swap3A_203 = arith.constant 16 : index
    %swap3A_204 = tpu.vector_load %arg7[%swap3A_202, %swap3A_203] {strides = array<i32>} : memref<27x128xf32, #tpu.memory_space<vmem>>, vector<1x16xf32>,
    %swap3A_205 = vector.shape_cast %swap3A_204 : vector<1x16xf32> to vector<16xf32>
    %swap3A_206 = vector.shape_cast %broadcast_in_dim3A_3 : vector<16xf32> to vector<1x16xf32>
    tpu.vector_store %arg7[%swap3A_202, %swap3A_203], %swap3A_206 {strides = array<i32>} : memref<27x128xf32, #tpu.memory_space<vmem>>, vector<1x16xf32>,
    %swap3A_207 = arith.constant 4 : i32
    %swap3A_208 = arith.index_cast %swap3A_207 : i32 to index
    %swap3A_209 = arith.constant 32 : index
    %swap3A_210 = tpu.vector_load %arg7[%swap3A_208, %swap3A_209] {strides = array<i32>} : memref<27x128xf32, #tpu.memory_space<vmem>>, vector<1x16xf32>,
    %swap3A_211 = vector.shape_cast %swap3A_210 : vector<1x16xf32> to vector<16xf32>
    %swap3A_212 = vector.shape_cast %broadcast_in_dim3A_3 : vector<16xf32> to vector<1x16xf32>
    tpu.vector_store %arg7[%swap3A_208, %swap3A_209], %swap3A_212 {strides = array<i32>} : memref<27x128xf32, #tpu.memory_space<vmem>>, vector<1x16xf32>,
    %swap3A_213 = arith.constant 4 : i32
    %swap3A_214 = arith.index_cast %swap3A_213 : i32 to index
    %swap3A_215 = arith.constant 48 : index
    %swap3A_216 = tpu.vector_load %arg7[%swap3A_214, %swap3A_215] {strides = array<i32>} : memref<27x128xf32, #tpu.memory_space<vmem>>, vector<1x16xf32>,
    %swap3A_217 = vector.shape_cast %swap3A_216 : vector<1x16xf32> to vector<16xf32>
    %swap3A_218 = vector.shape_cast %broadcast_in_dim3A_3 : vector<16xf32> to vector<1x16xf32>
    tpu.vector_store %arg7[%swap3A_214, %swap3A_215], %swap3A_218 {strides = array<i32>} : memref<27x128xf32, #tpu.memory_space<vmem>>, vector<1x16xf32>,
    %swap3A_219 = arith.constant 4 : i32
    %swap3A_220 = arith.index_cast %swap3A_219 : i32 to index
    %swap3A_221 = arith.constant 64 : index
    %swap3A_222 = tpu.vector_load %arg7[%swap3A_220, %swap3A_221] {strides = array<i32>} : memref<27x128xf32, #tpu.memory_space<vmem>>, vector<1x16xf32>,
    %swap3A_223 = vector.shape_cast %swap3A_222 : vector<1x16xf32> to vector<16xf32>
    %swap3A_224 = vector.shape_cast %broadcast_in_dim3A_3 : vector<16xf32> to vector<1x16xf32>
    tpu.vector_store %arg7[%swap3A_220, %swap3A_221], %swap3A_224 {strides = array<i32>} : memref<27x128xf32, #tpu.memory_space<vmem>>, vector<1x16xf32>,
    %swap3A_225 = arith.constant 4 : i32
    %swap3A_226 = arith.index_cast %swap3A_225 : i32 to index
    %swap3A_227 = arith.constant 80 : index
    %swap3A_228 = tpu.vector_load %arg7[%swap3A_226, %swap3A_227] {strides = array<i32>} : memref<27x128xf32, #tpu.memory_space<vmem>>, vector<1x16xf32>,
    %swap3A_229 = vector.shape_cast %swap3A_228 : vector<1x16xf32> to vector<16xf32>
    %swap3A_230 = vector.shape_cast %broadcast_in_dim3A_3 : vector<16xf32> to vector<1x16xf32>
    tpu.vector_store %arg7[%swap3A_226, %swap3A_227], %swap3A_230 {strides = array<i32>} : memref<27x128xf32, #tpu.memory_space<vmem>>, vector<1x16xf32>,
    %swap3A_231 = arith.constant 4 : i32
    %swap3A_232 = arith.index_cast %swap3A_231 : i32 to index
    %swap3A_233 = arith.constant 96 : index
    %swap3A_234 = tpu.vector_load %arg7[%swap3A_232, %swap3A_233] {strides = array<i32>} : memref<27x128xf32, #tpu.memory_space<vmem>>, vector<1x16xf32>,
    %swap3A_235 = vector.shape_cast %swap3A_234 : vector<1x16xf32> to vector<16xf32>
    %swap3A_236 = vector.shape_cast %broadcast_in_dim3A_3 : vector<16xf32> to vector<1x16xf32>
    tpu.vector_store %arg7[%swap3A_232, %swap3A_233], %swap3A_236 {strides = array<i32>} : memref<27x128xf32, #tpu.memory_space<vmem>>, vector<1x16xf32>,
    %swap3A_237 = arith.constant 4 : i32
    %swap3A_238 = arith.index_cast %swap3A_237 : i32 to index
    %swap3A_239 = arith.constant 112 : index
    %swap3A_240 = tpu.vector_load %arg7[%swap3A_238, %swap3A_239] {strides = array<i32>} : memref<27x128xf32, #tpu.memory_space<vmem>>, vector<1x16xf32>,
    %swap3A_241 = vector.shape_cast %swap3A_240 : vector<1x16xf32> to vector<16xf32>
    %swap3A_242 = vector.shape_cast %broadcast_in_dim3A_3 : vector<16xf32> to vector<1x16xf32>
    tpu.vector_store %arg7[%swap3A_238, %swap3A_239], %swap3A_242 {strides = array<i32>} : memref<27x128xf32, #tpu.memory_space<vmem>>, vector<1x16xf32>,
    %swap3A_243 = arith.constant 5 : i32
    %swap3A_244 = arith.index_cast %swap3A_243 : i32 to index
    %swap3A_245 = arith.constant 0 : index
    %swap3A_246 = tpu.vector_load %arg7[%swap3A_244, %swap3A_245] {strides = array<i32>} : memref<27x128xf32, #tpu.memory_space<vmem>>, vector<1x16xf32>,
    %swap3A_247 = vector.shape_cast %swap3A_246 : vector<1x16xf32> to vector<16xf32>
    %swap3A_248 = vector.shape_cast %broadcast_in_dim3A_3 : vector<16xf32> to vector<1x16xf32>
    tpu.vector_store %arg7[%swap3A_244, %swap3A_245], %swap3A_248 {strides = array<i32>} : memref<27x128xf32, #tpu.memory_space<vmem>>, vector<1x16xf32>,
    %swap3A_249 = arith.constant 5 : i32
    %swap3A_250 = arith.index_cast %swap3A_249 : i32 to index
    %swap3A_251 = arith.constant 16 : index
    %swap3A_252 = tpu.vector_load %arg7[%swap3A_250, %swap3A_251] {strides = array<i32>} : memref<27x128xf32, #tpu.memory_space<vmem>>, vector<1x16xf32>,
    %swap3A_253 = vector.shape_cast %swap3A_252 : vector<1x16xf32> to vector<16xf32>
    %swap3A_254 = vector.shape_cast %broadcast_in_dim3A_3 : vector<16xf32> to vector<1x16xf32>
    tpu.vector_store %arg7[%swap3A_250, %swap3A_251], %swap3A_254 {strides = array<i32>} : memref<27x128xf32, #tpu.memory_space<vmem>>, vector<1x16xf32>,
    %swap3A_255 = arith.constant 5 : i32
    %swap3A_256 = arith.index_cast %swap3A_255 : i32 to index
    %swap3A_257 = arith.constant 32 : index
    %swap3A_258 = tpu.vector_load %arg7[%swap3A_256, %swap3A_257] {strides = array<i32>} : memref<27x128xf32, #tpu.memory_space<vmem>>, vector<1x16xf32>,
    %swap3A_259 = vector.shape_cast %swap3A_258 : vector<1x16xf32> to vector<16xf32>
    %swap3A_260 = vector.shape_cast %broadcast_in_dim3A_3 : vector<16xf32> to vector<1x16xf32>
    tpu.vector_store %arg7[%swap3A_256, %swap3A_257], %swap3A_260 {strides = array<i32>} : memref<27x128xf32, #tpu.memory_space<vmem>>, vector<1x16xf32>,
    %swap3A_261 = arith.constant 5 : i32
    %swap3A_262 = arith.index_cast %swap3A_261 : i32 to index
    %swap3A_263 = arith.constant 48 : index
    %swap3A_264 = tpu.vector_load %arg7[%swap3A_262, %swap3A_263] {strides = array<i32>} : memref<27x128xf32, #tpu.memory_space<vmem>>, vector<1x16xf32>,
    %swap3A_265 = vector.shape_cast %swap3A_264 : vector<1x16xf32> to vector<16xf32>
    %swap3A_266 = vector.shape_cast %broadcast_in_dim3A_3 : vector<16xf32> to vector<1x16xf32>
    tpu.vector_store %arg7[%swap3A_262, %swap3A_263], %swap3A_266 {strides = array<i32>} : memref<27x128xf32, #tpu.memory_space<vmem>>, vector<1x16xf32>,
    %swap3A_267 = arith.constant 5 : i32
    %swap3A_268 = arith.index_cast %swap3A_267 : i32 to index
    %swap3A_269 = arith.constant 64 : index
    %swap3A_270 = tpu.vector_load %arg7[%swap3A_268, %swap3A_269] {strides = array<i32>} : memref<27x128xf32, #tpu.memory_space<vmem>>, vector<1x16xf32>,
    %swap3A_271 = vector.shape_cast %swap3A_270 : vector<1x16xf32> to vector<16xf32>
    %swap3A_272 = vector.shape_cast %broadcast_in_dim3A_3 : vector<16xf32> to vector<1x16xf32>
    tpu.vector_store %arg7[%swap3A_268, %swap3A_269], %swap3A_272 {strides = array<i32>} : memref<27x128xf32, #tpu.memory_space<vmem>>, vector<1x16xf32>,
    %swap3A_273 = arith.constant 5 : i32
    %swap3A_274 = arith.index_cast %swap3A_273 : i32 to index
    %swap3A_275 = arith.constant 80 : index
    %swap3A_276 = tpu.vector_load %arg7[%swap3A_274, %swap3A_275] {strides = array<i32>} : memref<27x128xf32, #tpu.memory_space<vmem>>, vector<1x16xf32>,
    %swap3A_277 = vector.shape_cast %swap3A_276 : vector<1x16xf32> to vector<16xf32>
    %swap3A_278 = vector.shape_cast %broadcast_in_dim3A_3 : vector<16xf32> to vector<1x16xf32>
    tpu.vector_store %arg7[%swap3A_274, %swap3A_275], %swap3A_278 {strides = array<i32>} : memref<27x128xf32, #tpu.memory_space<vmem>>, vector<1x16xf32>,
    %swap3A_279 = arith.constant 5 : i32
    %swap3A_280 = arith.index_cast %swap3A_279 : i32 to index
    %swap3A_281 = arith.constant 96 : index
    %swap3A_282 = tpu.vector_load %arg7[%swap3A_280, %swap3A_281] {strides = array<i32>} : memref<27x128xf32, #tpu.memory_space<vmem>>, vector<1x16xf32>,
    %swap3A_283 = vector.shape_cast %swap3A_282 : vector<1x16xf32> to vector<16xf32>
    %swap3A_284 = vector.shape_cast %broadcast_in_dim3A_3 : vector<16xf32> to vector<1x16xf32>
    tpu.vector_store %arg7[%swap3A_280, %swap3A_281], %swap3A_284 {strides = array<i32>} : memref<27x128xf32, #tpu.memory_space<vmem>>, vector<1x16xf32>,
    %swap3A_285 = arith.constant 5 : i32
    %swap3A_286 = arith.index_cast %swap3A_285 : i32 to index
    %swap3A_287 = arith.constant 112 : index
    %swap3A_288 = tpu.vector_load %arg7[%swap3A_286, %swap3A_287] {strides = array<i32>} : memref<27x128xf32, #tpu.memory_space<vmem>>, vector<1x16xf32>,
    %swap3A_289 = vector.shape_cast %swap3A_288 : vector<1x16xf32> to vector<16xf32>
    %swap3A_290 = vector.shape_cast %broadcast_in_dim3A_3 : vector<16xf32> to vector<1x16xf32>
    tpu.vector_store %arg7[%swap3A_286, %swap3A_287], %swap3A_290 {strides = array<i32>} : memref<27x128xf32, #tpu.memory_space<vmem>>, vector<1x16xf32>,
    %swap3A_291 = arith.constant 6 : i32
    %swap3A_292 = arith.index_cast %swap3A_291 : i32 to index
    %swap3A_293 = arith.constant 0 : index
    %swap3A_294 = tpu.vector_load %arg7[%swap3A_292, %swap3A_293] {strides = array<i32>} : memref<27x128xf32, #tpu.memory_space<vmem>>, vector<1x16xf32>,
    %swap3A_295 = vector.shape_cast %swap3A_294 : vector<1x16xf32> to vector<16xf32>
    %swap3A_296 = vector.shape_cast %broadcast_in_dim3A_3 : vector<16xf32> to vector<1x16xf32>
    tpu.vector_store %arg7[%swap3A_292, %swap3A_293], %swap3A_296 {strides = array<i32>} : memref<27x128xf32, #tpu.memory_space<vmem>>, vector<1x16xf32>,
    %swap3A_297 = arith.constant 6 : i32
    %swap3A_298 = arith.index_cast %swap3A_297 : i32 to index
    %swap3A_299 = arith.constant 16 : index
    %swap3A_300 = tpu.vector_load %arg7[%swap3A_298, %swap3A_299] {strides = array<i32>} : memref<27x128xf32, #tpu.memory_space<vmem>>, vector<1x16xf32>,
    %swap3A_301 = vector.shape_cast %swap3A_300 : vector<1x16xf32> to vector<16xf32>
    %swap3A_302 = vector.shape_cast %broadcast_in_dim3A_3 : vector<16xf32> to vector<1x16xf32>
    tpu.vector_store %arg7[%swap3A_298, %swap3A_299], %swap3A_302 {strides = array<i32>} : memref<27x128xf32, #tpu.memory_space<vmem>>, vector<1x16xf32>,
    %swap3A_303 = arith.constant 6 : i32
    %swap3A_304 = arith.index_cast %swap3A_303 : i32 to index
    %swap3A_305 = arith.constant 32 : index
    %swap3A_306 = tpu.vector_load %arg7[%swap3A_304, %swap3A_305] {strides = array<i32>} : memref<27x128xf32, #tpu.memory_space<vmem>>, vector<1x16xf32>,
    %swap3A_307 = vector.shape_cast %swap3A_306 : vector<1x16xf32> to vector<16xf32>
    %swap3A_308 = vector.shape_cast %broadcast_in_dim3A_3 : vector<16xf32> to vector<1x16xf32>
    tpu.vector_store %arg7[%swap3A_304, %swap3A_305], %swap3A_308 {strides = array<i32>} : memref<27x128xf32, #tpu.memory_space<vmem>>, vector<1x16xf32>,
    %swap3A_309 = arith.constant 6 : i32
    %swap3A_310 = arith.index_cast %swap3A_309 : i32 to index
    %swap3A_311 = arith.constant 48 : index
    %swap3A_312 = tpu.vector_load %arg7[%swap3A_310, %swap3A_311] {strides = array<i32>} : memref<27x128xf32, #tpu.memory_space<vmem>>, vector<1x16xf32>,
    %swap3A_313 = vector.shape_cast %swap3A_312 : vector<1x16xf32> to vector<16xf32>
    %swap3A_314 = vector.shape_cast %broadcast_in_dim3A_3 : vector<16xf32> to vector<1x16xf32>
    tpu.vector_store %arg7[%swap3A_310, %swap3A_311], %swap3A_314 {strides = array<i32>} : memref<27x128xf32, #tpu.memory_space<vmem>>, vector<1x16xf32>,
    %swap3A_315 = arith.constant 6 : i32
    %swap3A_316 = arith.index_cast %swap3A_315 : i32 to index
    %swap3A_317 = arith.constant 64 : index
    %swap3A_318 = tpu.vector_load %arg7[%swap3A_316, %swap3A_317] {strides = array<i32>} : memref<27x128xf32, #tpu.memory_space<vmem>>, vector<1x16xf32>,
    %swap3A_319 = vector.shape_cast %swap3A_318 : vector<1x16xf32> to vector<16xf32>
    %swap3A_320 = vector.shape_cast %broadcast_in_dim3A_3 : vector<16xf32> to vector<1x16xf32>
    tpu.vector_store %arg7[%swap3A_316, %swap3A_317], %swap3A_320 {strides = array<i32>} : memref<27x128xf32, #tpu.memory_space<vmem>>, vector<1x16xf32>,
    %swap3A_321 = arith.constant 6 : i32
    %swap3A_322 = arith.index_cast %swap3A_321 : i32 to index
    %swap3A_323 = arith.constant 80 : index
    %swap3A_324 = tpu.vector_load %arg7[%swap3A_322, %swap3A_323] {strides = array<i32>} : memref<27x128xf32, #tpu.memory_space<vmem>>, vector<1x16xf32>,
    %swap3A_325 = vector.shape_cast %swap3A_324 : vector<1x16xf32> to vector<16xf32>
    %swap3A_326 = vector.shape_cast %broadcast_in_dim3A_3 : vector<16xf32> to vector<1x16xf32>
    tpu.vector_store %arg7[%swap3A_322, %swap3A_323], %swap3A_326 {strides = array<i32>} : memref<27x128xf32, #tpu.memory_space<vmem>>, vector<1x16xf32>,
    %swap3A_327 = arith.constant 6 : i32
    %swap3A_328 = arith.index_cast %swap3A_327 : i32 to index
    %swap3A_329 = arith.constant 96 : index
    %swap3A_330 = tpu.vector_load %arg7[%swap3A_328, %swap3A_329] {strides = array<i32>} : memref<27x128xf32, #tpu.memory_space<vmem>>, vector<1x16xf32>,
    %swap3A_331 = vector.shape_cast %swap3A_330 : vector<1x16xf32> to vector<16xf32>
    %swap3A_332 = vector.shape_cast %broadcast_in_dim3A_3 : vector<16xf32> to vector<1x16xf32>
    tpu.vector_store %arg7[%swap3A_328, %swap3A_329], %swap3A_332 {strides = array<i32>} : memref<27x128xf32, #tpu.memory_space<vmem>>, vector<1x16xf32>,
    %swap3A_333 = arith.constant 6 : i32
    %swap3A_334 = arith.index_cast %swap3A_333 : i32 to index
    %swap3A_335 = arith.constant 112 : index
    %swap3A_336 = tpu.vector_load %arg7[%swap3A_334, %swap3A_335] {strides = array<i32>} : memref<27x128xf32, #tpu.memory_space<vmem>>, vector<1x16xf32>,
    %swap3A_337 = vector.shape_cast %swap3A_336 : vector<1x16xf32> to vector<16xf32>
    %swap3A_338 = vector.shape_cast %broadcast_in_dim3A_3 : vector<16xf32> to vector<1x16xf32>
    tpu.vector_store %arg7[%swap3A_334, %swap3A_335], %swap3A_338 {strides = array<i32>} : memref<27x128xf32, #tpu.memory_space<vmem>>, vector<1x16xf32>,
    %swap3A_339 = arith.constant 7 : i32
    %swap3A_340 = arith.index_cast %swap3A_339 : i32 to index
    %swap3A_341 = arith.constant 0 : index
    %swap3A_342 = tpu.vector_load %arg7[%swap3A_340, %swap3A_341] {strides = array<i32>} : memref<27x128xf32, #tpu.memory_space<vmem>>, vector<1x16xf32>,
    %swap3A_343 = vector.shape_cast %swap3A_342 : vector<1x16xf32> to vector<16xf32>
    %swap3A_344 = vector.shape_cast %broadcast_in_dim3A_3 : vector<16xf32> to vector<1x16xf32>
    tpu.vector_store %arg7[%swap3A_340, %swap3A_341], %swap3A_344 {strides = array<i32>} : memref<27x128xf32, #tpu.memory_space<vmem>>, vector<1x16xf32>,
    %swap3A_345 = arith.constant 7 : i32
    %swap3A_346 = arith.index_cast %swap3A_345 : i32 to index
    %swap3A_347 = arith.constant 16 : index
    %swap3A_348 = tpu.vector_load %arg7[%swap3A_346, %swap3A_347] {strides = array<i32>} : memref<27x128xf32, #tpu.memory_space<vmem>>, vector<1x16xf32>,
    %swap3A_349 = vector.shape_cast %swap3A_348 : vector<1x16xf32> to vector<16xf32>
    %swap3A_350 = vector.shape_cast %broadcast_in_dim3A_3 : vector<16xf32> to vector<1x16xf32>
    tpu.vector_store %arg7[%swap3A_346, %swap3A_347], %swap3A_350 {strides = array<i32>} : memref<27x128xf32, #tpu.memory_space<vmem>>, vector<1x16xf32>,
    %swap3A_351 = arith.constant 7 : i32
    %swap3A_352 = arith.index_cast %swap3A_351 : i32 to index
    %swap3A_353 = arith.constant 32 : index
    %swap3A_354 = tpu.vector_load %arg7[%swap3A_352, %swap3A_353] {strides = array<i32>} : memref<27x128xf32, #tpu.memory_space<vmem>>, vector<1x16xf32>,
    %swap3A_355 = vector.shape_cast %swap3A_354 : vector<1x16xf32> to vector<16xf32>
    %swap3A_356 = vector.shape_cast %broadcast_in_dim3A_3 : vector<16xf32> to vector<1x16xf32>
    tpu.vector_store %arg7[%swap3A_352, %swap3A_353], %swap3A_356 {strides = array<i32>} : memref<27x128xf32, #tpu.memory_space<vmem>>, vector<1x16xf32>,
    %swap3A_357 = arith.constant 7 : i32
    %swap3A_358 = arith.index_cast %swap3A_357 : i32 to index
    %swap3A_359 = arith.constant 48 : index
    %swap3A_360 = tpu.vector_load %arg7[%swap3A_358, %swap3A_359] {strides = array<i32>} : memref<27x128xf32, #tpu.memory_space<vmem>>, vector<1x16xf32>,
    %swap3A_361 = vector.shape_cast %swap3A_360 : vector<1x16xf32> to vector<16xf32>
    %swap3A_362 = vector.shape_cast %broadcast_in_dim3A_3 : vector<16xf32> to vector<1x16xf32>
    tpu.vector_store %arg7[%swap3A_358, %swap3A_359], %swap3A_362 {strides = array<i32>} : memref<27x128xf32, #tpu.memory_space<vmem>>, vector<1x16xf32>,
    %swap3A_363 = arith.constant 7 : i32
    %swap3A_364 = arith.index_cast %swap3A_363 : i32 to index
    %swap3A_365 = arith.constant 64 : index
    %swap3A_366 = tpu.vector_load %arg7[%swap3A_364, %swap3A_365] {strides = array<i32>} : memref<27x128xf32, #tpu.memory_space<vmem>>, vector<1x16xf32>,
    %swap3A_367 = vector.shape_cast %swap3A_366 : vector<1x16xf32> to vector<16xf32>
    %swap3A_368 = vector.shape_cast %broadcast_in_dim3A_3 : vector<16xf32> to vector<1x16xf32>
    tpu.vector_store %arg7[%swap3A_364, %swap3A_365], %swap3A_368 {strides = array<i32>} : memref<27x128xf32, #tpu.memory_space<vmem>>, vector<1x16xf32>,
    %swap3A_369 = arith.constant 7 : i32
    %swap3A_370 = arith.index_cast %swap3A_369 : i32 to index
    %swap3A_371 = arith.constant 80 : index
    %swap3A_372 = tpu.vector_load %arg7[%swap3A_370, %swap3A_371] {strides = array<i32>} : memref<27x128xf32, #tpu.memory_space<vmem>>, vector<1x16xf32>,
    %swap3A_373 = vector.shape_cast %swap3A_372 : vector<1x16xf32> to vector<16xf32>
    %swap3A_374 = vector.shape_cast %broadcast_in_dim3A_3 : vector<16xf32> to vector<1x16xf32>
    tpu.vector_store %arg7[%swap3A_370, %swap3A_371], %swap3A_374 {strides = array<i32>} : memref<27x128xf32, #tpu.memory_space<vmem>>, vector<1x16xf32>,
    %swap3A_375 = arith.constant 7 : i32
    %swap3A_376 = arith.index_cast %swap3A_375 : i32 to index
    %swap3A_377 = arith.constant 96 : index
    %swap3A_378 = tpu.vector_load %arg7[%swap3A_376, %swap3A_377] {strides = array<i32>} : memref<27x128xf32, #tpu.memory_space<vmem>>, vector<1x16xf32>,
    %swap3A_379 = vector.shape_cast %swap3A_378 : vector<1x16xf32> to vector<16xf32>
    %swap3A_380 = vector.shape_cast %broadcast_in_dim3A_3 : vector<16xf32> to vector<1x16xf32>
    tpu.vector_store %arg7[%swap3A_376, %swap3A_377], %swap3A_380 {strides = array<i32>} : memref<27x128xf32, #tpu.memory_space<vmem>>, vector<1x16xf32>,
    %swap3A_381 = arith.constant 7 : i32
    %swap3A_382 = arith.index_cast %swap3A_381 : i32 to index
    %swap3A_383 = arith.constant 112 : index
    %swap3A_384 = tpu.vector_load %arg7[%swap3A_382, %swap3A_383] {strides = array<i32>} : memref<27x128xf32, #tpu.memory_space<vmem>>, vector<1x16xf32>,
    %swap3A_385 = vector.shape_cast %swap3A_384 : vector<1x16xf32> to vector<16xf32>
    %swap3A_386 = vector.shape_cast %broadcast_in_dim3A_3 : vector<16xf32> to vector<1x16xf32>
    tpu.vector_store %arg7[%swap3A_382, %swap3A_383], %swap3A_386 {strides = array<i32>} : memref<27x128xf32, #tpu.memory_space<vmem>>, vector<1x16xf32>,
    %swap3A_387 = arith.constant 8 : i32
    %swap3A_388 = arith.index_cast %swap3A_387 : i32 to index
    %swap3A_389 = arith.constant 0 : index
    %swap3A_390 = tpu.vector_load %arg7[%swap3A_388, %swap3A_389] {strides = array<i32>} : memref<27x128xf32, #tpu.memory_space<vmem>>, vector<1x16xf32>,
    %swap3A_391 = vector.shape_cast %swap3A_390 : vector<1x16xf32> to vector<16xf32>
    %swap3A_392 = vector.shape_cast %broadcast_in_dim3A_3 : vector<16xf32> to vector<1x16xf32>
    tpu.vector_store %arg7[%swap3A_388, %swap3A_389], %swap3A_392 {strides = array<i32>} : memref<27x128xf32, #tpu.memory_space<vmem>>, vector<1x16xf32>,
    %swap3A_393 = arith.constant 8 : i32
    %swap3A_394 = arith.index_cast %swap3A_393 : i32 to index
    %swap3A_395 = arith.constant 16 : index
    %swap3A_396 = tpu.vector_load %arg7[%swap3A_394, %swap3A_395] {strides = array<i32>} : memref<27x128xf32, #tpu.memory_space<vmem>>, vector<1x16xf32>,
    %swap3A_397 = vector.shape_cast %swap3A_396 : vector<1x16xf32> to vector<16xf32>
    %swap3A_398 = vector.shape_cast %broadcast_in_dim3A_3 : vector<16xf32> to vector<1x16xf32>
    tpu.vector_store %arg7[%swap3A_394, %swap3A_395], %swap3A_398 {strides = array<i32>} : memref<27x128xf32, #tpu.memory_space<vmem>>, vector<1x16xf32>,
    %swap3A_399 = arith.constant 8 : i32
    %swap3A_400 = arith.index_cast %swap3A_399 : i32 to index
    %swap3A_401 = arith.constant 32 : index
    %swap3A_402 = tpu.vector_load %arg7[%swap3A_400, %swap3A_401] {strides = array<i32>} : memref<27x128xf32, #tpu.memory_space<vmem>>, vector<1x16xf32>,
    %swap3A_403 = vector.shape_cast %swap3A_402 : vector<1x16xf32> to vector<16xf32>
    %swap3A_404 = vector.shape_cast %broadcast_in_dim3A_3 : vector<16xf32> to vector<1x16xf32>
    tpu.vector_store %arg7[%swap3A_400, %swap3A_401], %swap3A_404 {strides = array<i32>} : memref<27x128xf32, #tpu.memory_space<vmem>>, vector<1x16xf32>,
    %swap3A_405 = arith.constant 8 : i32
    %swap3A_406 = arith.index_cast %swap3A_405 : i32 to index
    %swap3A_407 = arith.constant 48 : index
    %swap3A_408 = tpu.vector_load %arg7[%swap3A_406, %swap3A_407] {strides = array<i32>} : memref<27x128xf32, #tpu.memory_space<vmem>>, vector<1x16xf32>,
    %swap3A_409 = vector.shape_cast %swap3A_408 : vector<1x16xf32> to vector<16xf32>
    %swap3A_410 = vector.shape_cast %broadcast_in_dim3A_3 : vector<16xf32> to vector<1x16xf32>
    tpu.vector_store %arg7[%swap3A_406, %swap3A_407], %swap3A_410 {strides = array<i32>} : memref<27x128xf32, #tpu.memory_space<vmem>>, vector<1x16xf32>,
    %swap3A_411 = arith.constant 8 : i32
    %swap3A_412 = arith.index_cast %swap3A_411 : i32 to index
    %swap3A_413 = arith.constant 64 : index
    %swap3A_414 = tpu.vector_load %arg7[%swap3A_412, %swap3A_413] {strides = array<i32>} : memref<27x128xf32, #tpu.memory_space<vmem>>, vector<1x16xf32>,
    %swap3A_415 = vector.shape_cast %swap3A_414 : vector<1x16xf32> to vector<16xf32>
    %swap3A_416 = vector.shape_cast %broadcast_in_dim3A_3 : vector<16xf32> to vector<1x16xf32>
    tpu.vector_store %arg7[%swap3A_412, %swap3A_413], %swap3A_416 {strides = array<i32>} : memref<27x128xf32, #tpu.memory_space<vmem>>, vector<1x16xf32>,
    %swap3A_417 = arith.constant 8 : i32
    %swap3A_418 = arith.index_cast %swap3A_417 : i32 to index
    %swap3A_419 = arith.constant 80 : index
    %swap3A_420 = tpu.vector_load %arg7[%swap3A_418, %swap3A_419] {strides = array<i32>} : memref<27x128xf32, #tpu.memory_space<vmem>>, vector<1x16xf32>,
    %swap3A_421 = vector.shape_cast %swap3A_420 : vector<1x16xf32> to vector<16xf32>
    %swap3A_422 = vector.shape_cast %broadcast_in_dim3A_3 : vector<16xf32> to vector<1x16xf32>
    tpu.vector_store %arg7[%swap3A_418, %swap3A_419], %swap3A_422 {strides = array<i32>} : memref<27x128xf32, #tpu.memory_space<vmem>>, vector<1x16xf32>,
    %swap3A_423 = arith.constant 8 : i32
    %swap3A_424 = arith.index_cast %swap3A_423 : i32 to index
    %swap3A_425 = arith.constant 96 : index
    %swap3A_426 = tpu.vector_load %arg7[%swap3A_424, %swap3A_425] {strides = array<i32>} : memref<27x128xf32, #tpu.memory_space<vmem>>, vector<1x16xf32>,
    %swap3A_427 = vector.shape_cast %swap3A_426 : vector<1x16xf32> to vector<16xf32>
    %swap3A_428 = vector.shape_cast %broadcast_in_dim3A_3 : vector<16xf32> to vector<1x16xf32>
    tpu.vector_store %arg7[%swap3A_424, %swap3A_425], %swap3A_428 {strides = array<i32>} : memref<27x128xf32, #tpu.memory_space<vmem>>, vector<1x16xf32>,
    %swap3A_429 = arith.constant 8 : i32
    %swap3A_430 = arith.index_cast %swap3A_429 : i32 to index
    %swap3A_431 = arith.constant 112 : index
    %swap3A_432 = tpu.vector_load %arg7[%swap3A_430, %swap3A_431] {strides = array<i32>} : memref<27x128xf32, #tpu.memory_space<vmem>>, vector<1x16xf32>,
    %swap3A_433 = vector.shape_cast %swap3A_432 : vector<1x16xf32> to vector<16xf32>
    %swap3A_434 = vector.shape_cast %broadcast_in_dim3A_3 : vector<16xf32> to vector<1x16xf32>
    tpu.vector_store %arg7[%swap3A_430, %swap3A_431], %swap3A_434 {strides = array<i32>} : memref<27x128xf32, #tpu.memory_space<vmem>>, vector<1x16xf32>,
    %swap3A_435 = arith.constant 9 : i32
    %swap3A_436 = arith.index_cast %swap3A_435 : i32 to index
    %swap3A_437 = arith.constant 0 : index
    %swap3A_438 = tpu.vector_load %arg7[%swap3A_436, %swap3A_437] {strides = array<i32>} : memref<27x128xf32, #tpu.memory_space<vmem>>, vector<1x16xf32>,
    %swap3A_439 = vector.shape_cast %swap3A_438 : vector<1x16xf32> to vector<16xf32>
    %swap3A_440 = vector.shape_cast %broadcast_in_dim3A_3 : vector<16xf32> to vector<1x16xf32>
    tpu.vector_store %arg7[%swap3A_436, %swap3A_437], %swap3A_440 {strides = array<i32>} : memref<27x128xf32, #tpu.memory_space<vmem>>, vector<1x16xf32>,
    %swap3A_441 = arith.constant 9 : i32
    %swap3A_442 = arith.index_cast %swap3A_441 : i32 to index
    %swap3A_443 = arith.constant 16 : index
    %swap3A_444 = tpu.vector_load %arg7[%swap3A_442, %swap3A_443] {strides = array<i32>} : memref<27x128xf32, #tpu.memory_space<vmem>>, vector<1x16xf32>,
    %swap3A_445 = vector.shape_cast %swap3A_444 : vector<1x16xf32> to vector<16xf32>
    %swap3A_446 = vector.shape_cast %broadcast_in_dim3A_3 : vector<16xf32> to vector<1x16xf32>
    tpu.vector_store %arg7[%swap3A_442, %swap3A_443], %swap3A_446 {strides = array<i32>} : memref<27x128xf32, #tpu.memory_space<vmem>>, vector<1x16xf32>,
    %swap3A_447 = arith.constant 9 : i32
    %swap3A_448 = arith.index_cast %swap3A_447 : i32 to index
    %swap3A_449 = arith.constant 32 : index
    %swap3A_450 = tpu.vector_load %arg7[%swap3A_448, %swap3A_449] {strides = array<i32>} : memref<27x128xf32, #tpu.memory_space<vmem>>, vector<1x16xf32>,
    %swap3A_451 = vector.shape_cast %swap3A_450 : vector<1x16xf32> to vector<16xf32>
    %swap3A_452 = vector.shape_cast %broadcast_in_dim3A_3 : vector<16xf32> to vector<1x16xf32>
    tpu.vector_store %arg7[%swap3A_448, %swap3A_449], %swap3A_452 {strides = array<i32>} : memref<27x128xf32, #tpu.memory_space<vmem>>, vector<1x16xf32>,
    %swap3A_453 = arith.constant 9 : i32
    %swap3A_454 = arith.index_cast %swap3A_453 : i32 to index
    %swap3A_455 = arith.constant 48 : index
    %swap3A_456 = tpu.vector_load %arg7[%swap3A_454, %swap3A_455] {strides = array<i32>} : memref<27x128xf32, #tpu.memory_space<vmem>>, vector<1x16xf32>,
    %swap3A_457 = vector.shape_cast %swap3A_456 : vector<1x16xf32> to vector<16xf32>
    %swap3A_458 = vector.shape_cast %broadcast_in_dim3A_3 : vector<16xf32> to vector<1x16xf32>
    tpu.vector_store %arg7[%swap3A_454, %swap3A_455], %swap3A_458 {strides = array<i32>} : memref<27x128xf32, #tpu.memory_space<vmem>>, vector<1x16xf32>,
    %swap3A_459 = arith.constant 9 : i32
    %swap3A_460 = arith.index_cast %swap3A_459 : i32 to index
    %swap3A_461 = arith.constant 64 : index
    %swap3A_462 = tpu.vector_load %arg7[%swap3A_460, %swap3A_461] {strides = array<i32>} : memref<27x128xf32, #tpu.memory_space<vmem>>, vector<1x16xf32>,
    %swap3A_463 = vector.shape_cast %swap3A_462 : vector<1x16xf32> to vector<16xf32>
    %swap3A_464 = vector.shape_cast %broadcast_in_dim3A_3 : vector<16xf32> to vector<1x16xf32>
    tpu.vector_store %arg7[%swap3A_460, %swap3A_461], %swap3A_464 {strides = array<i32>} : memref<27x128xf32, #tpu.memory_space<vmem>>, vector<1x16xf32>,
    %swap3A_465 = arith.constant 9 : i32
    %swap3A_466 = arith.index_cast %swap3A_465 : i32 to index
    %swap3A_467 = arith.constant 80 : index
    %swap3A_468 = tpu.vector_load %arg7[%swap3A_466, %swap3A_467] {strides = array<i32>} : memref<27x128xf32, #tpu.memory_space<vmem>>, vector<1x16xf32>,
    %swap3A_469 = vector.shape_cast %swap3A_468 : vector<1x16xf32> to vector<16xf32>
    %swap3A_470 = vector.shape_cast %broadcast_in_dim3A_3 : vector<16xf32> to vector<1x16xf32>
    tpu.vector_store %arg7[%swap3A_466, %swap3A_467], %swap3A_470 {strides = array<i32>} : memref<27x128xf32, #tpu.memory_space<vmem>>, vector<1x16xf32>,
    %swap3A_471 = arith.constant 9 : i32
    %swap3A_472 = arith.index_cast %swap3A_471 : i32 to index
    %swap3A_473 = arith.constant 96 : index
    %swap3A_474 = tpu.vector_load %arg7[%swap3A_472, %swap3A_473] {strides = array<i32>} : memref<27x128xf32, #tpu.memory_space<vmem>>, vector<1x16xf32>,
    %swap3A_475 = vector.shape_cast %swap3A_474 : vector<1x16xf32> to vector<16xf32>
    %swap3A_476 = vector.shape_cast %broadcast_in_dim3A_3 : vector<16xf32> to vector<1x16xf32>
    tpu.vector_store %arg7[%swap3A_472, %swap3A_473], %swap3A_476 {strides = array<i32>} : memref<27x128xf32, #tpu.memory_space<vmem>>, vector<1x16xf32>,
    %swap3A_477 = arith.constant 9 : i32
    %swap3A_478 = arith.index_cast %swap3A_477 : i32 to index
    %swap3A_479 = arith.constant 112 : index
    %swap3A_480 = tpu.vector_load %arg7[%swap3A_478, %swap3A_479] {strides = array<i32>} : memref<27x128xf32, #tpu.memory_space<vmem>>, vector<1x16xf32>,
    %swap3A_481 = vector.shape_cast %swap3A_480 : vector<1x16xf32> to vector<16xf32>
    %swap3A_482 = vector.shape_cast %broadcast_in_dim3A_3 : vector<16xf32> to vector<1x16xf32>
    tpu.vector_store %arg7[%swap3A_478, %swap3A_479], %swap3A_482 {strides = array<i32>} : memref<27x128xf32, #tpu.memory_space<vmem>>, vector<1x16xf32>,
    %swap3A_483 = arith.constant 10 : i32
    %swap3A_484 = arith.index_cast %swap3A_483 : i32 to index
    %swap3A_485 = arith.constant 0 : index
    %swap3A_486 = tpu.vector_load %arg7[%swap3A_484, %swap3A_485] {strides = array<i32>} : memref<27x128xf32, #tpu.memory_space<vmem>>, vector<1x16xf32>,
    %swap3A_487 = vector.shape_cast %swap3A_486 : vector<1x16xf32> to vector<16xf32>
    %swap3A_488 = vector.shape_cast %broadcast_in_dim3A_3 : vector<16xf32> to vector<1x16xf32>
    tpu.vector_store %arg7[%swap3A_484, %swap3A_485], %swap3A_488 {strides = array<i32>} : memref<27x128xf32, #tpu.memory_space<vmem>>, vector<1x16xf32>,
    %swap3A_489 = arith.constant 10 : i32
    %swap3A_490 = arith.index_cast %swap3A_489 : i32 to index
    %swap3A_491 = arith.constant 16 : index
    %swap3A_492 = tpu.vector_load %arg7[%swap3A_490, %swap3A_491] {strides = array<i32>} : memref<27x128xf32, #tpu.memory_space<vmem>>, vector<1x16xf32>,
    %swap3A_493 = vector.shape_cast %swap3A_492 : vector<1x16xf32> to vector<16xf32>
    %swap3A_494 = vector.shape_cast %broadcast_in_dim3A_3 : vector<16xf32> to vector<1x16xf32>
    tpu.vector_store %arg7[%swap3A_490, %swap3A_491], %swap3A_494 {strides = array<i32>} : memref<27x128xf32, #tpu.memory_space<vmem>>, vector<1x16xf32>,
    %swap3A_495 = arith.constant 10 : i32
    %swap3A_496 = arith.index_cast %swap3A_495 : i32 to index
    %swap3A_497 = arith.constant 32 : index
    %swap3A_498 = tpu.vector_load %arg7[%swap3A_496, %swap3A_497] {strides = array<i32>} : memref<27x128xf32, #tpu.memory_space<vmem>>, vector<1x16xf32>,
    %swap3A_499 = vector.shape_cast %swap3A_498 : vector<1x16xf32> to vector<16xf32>
    %swap3A_500 = vector.shape_cast %broadcast_in_dim3A_3 : vector<16xf32> to vector<1x16xf32>
    tpu.vector_store %arg7[%swap3A_496, %swap3A_497], %swap3A_500 {strides = array<i32>} : memref<27x128xf32, #tpu.memory_space<vmem>>, vector<1x16xf32>,
    %swap3A_501 = arith.constant 10 : i32
    %swap3A_502 = arith.index_cast %swap3A_501 : i32 to index
    %swap3A_503 = arith.constant 48 : index
    %swap3A_504 = tpu.vector_load %arg7[%swap3A_502, %swap3A_503] {strides = array<i32>} : memref<27x128xf32, #tpu.memory_space<vmem>>, vector<1x16xf32>,
    %swap3A_505 = vector.shape_cast %swap3A_504 : vector<1x16xf32> to vector<16xf32>
    %swap3A_506 = vector.shape_cast %broadcast_in_dim3A_3 : vector<16xf32> to vector<1x16xf32>
    tpu.vector_store %arg7[%swap3A_502, %swap3A_503], %swap3A_506 {strides = array<i32>} : memref<27x128xf32, #tpu.memory_space<vmem>>, vector<1x16xf32>,
    %swap3A_507 = arith.constant 10 : i32
    %swap3A_508 = arith.index_cast %swap3A_507 : i32 to index
    %swap3A_509 = arith.constant 64 : index
    %swap3A_510 = tpu.vector_load %arg7[%swap3A_508, %swap3A_509] {strides = array<i32>} : memref<27x128xf32, #tpu.memory_space<vmem>>, vector<1x16xf32>,
    %swap3A_511 = vector.shape_cast %swap3A_510 : vector<1x16xf32> to vector<16xf32>
    %swap3A_512 = vector.shape_cast %broadcast_in_dim3A_3 : vector<16xf32> to vector<1x16xf32>
    tpu.vector_store %arg7[%swap3A_508, %swap3A_509], %swap3A_512 {strides = array<i32>} : memref<27x128xf32, #tpu.memory_space<vmem>>, vector<1x16xf32>,
    %swap3A_513 = arith.constant 10 : i32
    %swap3A_514 = arith.index_cast %swap3A_513 : i32 to index
    %swap3A_515 = arith.constant 80 : index
    %swap3A_516 = tpu.vector_load %arg7[%swap3A_514, %swap3A_515] {strides = array<i32>} : memref<27x128xf32, #tpu.memory_space<vmem>>, vector<1x16xf32>,
    %swap3A_517 = vector.shape_cast %swap3A_516 : vector<1x16xf32> to vector<16xf32>
    %swap3A_518 = vector.shape_cast %broadcast_in_dim3A_3 : vector<16xf32> to vector<1x16xf32>
    tpu.vector_store %arg7[%swap3A_514, %swap3A_515], %swap3A_518 {strides = array<i32>} : memref<27x128xf32, #tpu.memory_space<vmem>>, vector<1x16xf32>,
    %swap3A_519 = arith.constant 10 : i32
    %swap3A_520 = arith.index_cast %swap3A_519 : i32 to index
    %swap3A_521 = arith.constant 96 : index
    %swap3A_522 = tpu.vector_load %arg7[%swap3A_520, %swap3A_521] {strides = array<i32>} : memref<27x128xf32, #tpu.memory_space<vmem>>, vector<1x16xf32>,
    %swap3A_523 = vector.shape_cast %swap3A_522 : vector<1x16xf32> to vector<16xf32>
    %swap3A_524 = vector.shape_cast %broadcast_in_dim3A_3 : vector<16xf32> to vector<1x16xf32>
    tpu.vector_store %arg7[%swap3A_520, %swap3A_521], %swap3A_524 {strides = array<i32>} : memref<27x128xf32, #tpu.memory_space<vmem>>, vector<1x16xf32>,
    %swap3A_525 = arith.constant 10 : i32
    %swap3A_526 = arith.index_cast %swap3A_525 : i32 to index
    %swap3A_527 = arith.constant 112 : index
    %swap3A_528 = tpu.vector_load %arg7[%swap3A_526, %swap3A_527] {strides = array<i32>} : memref<27x128xf32, #tpu.memory_space<vmem>>, vector<1x16xf32>,
    %swap3A_529 = vector.shape_cast %swap3A_528 : vector<1x16xf32> to vector<16xf32>
    %swap3A_530 = vector.shape_cast %broadcast_in_dim3A_3 : vector<16xf32> to vector<1x16xf32>
    tpu.vector_store %arg7[%swap3A_526, %swap3A_527], %swap3A_530 {strides = array<i32>} : memref<27x128xf32, #tpu.memory_space<vmem>>, vector<1x16xf32>,
    %swap3A_531 = arith.constant 11 : i32
    %swap3A_532 = arith.index_cast %swap3A_531 : i32 to index
    %swap3A_533 = arith.constant 0 : index
    %swap3A_534 = tpu.vector_load %arg7[%swap3A_532, %swap3A_533] {strides = array<i32>} : memref<27x128xf32, #tpu.memory_space<vmem>>, vector<1x16xf32>,
    %swap3A_535 = vector.shape_cast %swap3A_534 : vector<1x16xf32> to vector<16xf32>
    %swap3A_536 = vector.shape_cast %broadcast_in_dim3A_3 : vector<16xf32> to vector<1x16xf32>
    tpu.vector_store %arg7[%swap3A_532, %swap3A_533], %swap3A_536 {strides = array<i32>} : memref<27x128xf32, #tpu.memory_space<vmem>>, vector<1x16xf32>,
    %swap3A_537 = arith.constant 11 : i32
    %swap3A_538 = arith.index_cast %swap3A_537 : i32 to index
    %swap3A_539 = arith.constant 16 : index
    %swap3A_540 = tpu.vector_load %arg7[%swap3A_538, %swap3A_539] {strides = array<i32>} : memref<27x128xf32, #tpu.memory_space<vmem>>, vector<1x16xf32>,
    %swap3A_541 = vector.shape_cast %swap3A_540 : vector<1x16xf32> to vector<16xf32>
    %swap3A_542 = vector.shape_cast %broadcast_in_dim3A_3 : vector<16xf32> to vector<1x16xf32>
    tpu.vector_store %arg7[%swap3A_538, %swap3A_539], %swap3A_542 {strides = array<i32>} : memref<27x128xf32, #tpu.memory_space<vmem>>, vector<1x16xf32>,
    %swap3A_543 = arith.constant 11 : i32
    %swap3A_544 = arith.index_cast %swap3A_543 : i32 to index
    %swap3A_545 = arith.constant 32 : index
    %swap3A_546 = tpu.vector_load %arg7[%swap3A_544, %swap3A_545] {strides = array<i32>} : memref<27x128xf32, #tpu.memory_space<vmem>>, vector<1x16xf32>,
    %swap3A_547 = vector.shape_cast %swap3A_546 : vector<1x16xf32> to vector<16xf32>
    %swap3A_548 = vector.shape_cast %broadcast_in_dim3A_3 : vector<16xf32> to vector<1x16xf32>
    tpu.vector_store %arg7[%swap3A_544, %swap3A_545], %swap3A_548 {strides = array<i32>} : memref<27x128xf32, #tpu.memory_space<vmem>>, vector<1x16xf32>,
    %swap3A_549 = arith.constant 11 : i32
    %swap3A_550 = arith.index_cast %swap3A_549 : i32 to index
    %swap3A_551 = arith.constant 48 : index
    %swap3A_552 = tpu.vector_load %arg7[%swap3A_550, %swap3A_551] {strides = array<i32>} : memref<27x128xf32, #tpu.memory_space<vmem>>, vector<1x16xf32>,
    %swap3A_553 = vector.shape_cast %swap3A_552 : vector<1x16xf32> to vector<16xf32>
    %swap3A_554 = vector.shape_cast %broadcast_in_dim3A_3 : vector<16xf32> to vector<1x16xf32>
    tpu.vector_store %arg7[%swap3A_550, %swap3A_551], %swap3A_554 {strides = array<i32>} : memref<27x128xf32, #tpu.memory_space<vmem>>, vector<1x16xf32>,
    %swap3A_555 = arith.constant 11 : i32
    %swap3A_556 = arith.index_cast %swap3A_555 : i32 to index
    %swap3A_557 = arith.constant 64 : index
    %swap3A_558 = tpu.vector_load %arg7[%swap3A_556, %swap3A_557] {strides = array<i32>} : memref<27x128xf32, #tpu.memory_space<vmem>>, vector<1x16xf32>,
    %swap3A_559 = vector.shape_cast %swap3A_558 : vector<1x16xf32> to vector<16xf32>
    %swap3A_560 = vector.shape_cast %broadcast_in_dim3A_3 : vector<16xf32> to vector<1x16xf32>
    tpu.vector_store %arg7[%swap3A_556, %swap3A_557], %swap3A_560 {strides = array<i32>} : memref<27x128xf32, #tpu.memory_space<vmem>>, vector<1x16xf32>,
    %swap3A_561 = arith.constant 11 : i32
    %swap3A_562 = arith.index_cast %swap3A_561 : i32 to index
    %swap3A_563 = arith.constant 80 : index
    %swap3A_564 = tpu.vector_load %arg7[%swap3A_562, %swap3A_563] {strides = array<i32>} : memref<27x128xf32, #tpu.memory_space<vmem>>, vector<1x16xf32>,
    %swap3A_565 = vector.shape_cast %swap3A_564 : vector<1x16xf32> to vector<16xf32>
    %swap3A_566 = vector.shape_cast %broadcast_in_dim3A_3 : vector<16xf32> to vector<1x16xf32>
    tpu.vector_store %arg7[%swap3A_562, %swap3A_563], %swap3A_566 {strides = array<i32>} : memref<27x128xf32, #tpu.memory_space<vmem>>, vector<1x16xf32>,
    %swap3A_567 = arith.constant 11 : i32
    %swap3A_568 = arith.index_cast %swap3A_567 : i32 to index
    %swap3A_569 = arith.constant 96 : index
    %swap3A_570 = tpu.vector_load %arg7[%swap3A_568, %swap3A_569] {strides = array<i32>} : memref<27x128xf32, #tpu.memory_space<vmem>>, vector<1x16xf32>,
    %swap3A_571 = vector.shape_cast %swap3A_570 : vector<1x16xf32> to vector<16xf32>
    %swap3A_572 = vector.shape_cast %broadcast_in_dim3A_3 : vector<16xf32> to vector<1x16xf32>
    tpu.vector_store %arg7[%swap3A_568, %swap3A_569], %swap3A_572 {strides = array<i32>} : memref<27x128xf32, #tpu.memory_space<vmem>>, vector<1x16xf32>,
    %swap3A_573 = arith.constant 11 : i32
    %swap3A_574 = arith.index_cast %swap3A_573 : i32 to index
    %swap3A_575 = arith.constant 112 : index
    %swap3A_576 = tpu.vector_load %arg7[%swap3A_574, %swap3A_575] {strides = array<i32>} : memref<27x128xf32, #tpu.memory_space<vmem>>, vector<1x16xf32>,
    %swap3A_577 = vector.shape_cast %swap3A_576 : vector<1x16xf32> to vector<16xf32>
    %swap3A_578 = vector.shape_cast %broadcast_in_dim3A_3 : vector<16xf32> to vector<1x16xf32>
    tpu.vector_store %arg7[%swap3A_574, %swap3A_575], %swap3A_578 {strides = array<i32>} : memref<27x128xf32, #tpu.memory_space<vmem>>, vector<1x16xf32>,
    %swap3A_579 = arith.constant 12 : i32
    %swap3A_580 = arith.index_cast %swap3A_579 : i32 to index
    %swap3A_581 = arith.constant 0 : index
    %swap3A_582 = tpu.vector_load %arg7[%swap3A_580, %swap3A_581] {strides = array<i32>} : memref<27x128xf32, #tpu.memory_space<vmem>>, vector<1x16xf32>,
    %swap3A_583 = vector.shape_cast %swap3A_582 : vector<1x16xf32> to vector<16xf32>
    %swap3A_584 = vector.shape_cast %broadcast_in_dim3A_3 : vector<16xf32> to vector<1x16xf32>
    tpu.vector_store %arg7[%swap3A_580, %swap3A_581], %swap3A_584 {strides = array<i32>} : memref<27x128xf32, #tpu.memory_space<vmem>>, vector<1x16xf32>,
    %swap3A_585 = arith.constant 12 : i32
    %swap3A_586 = arith.index_cast %swap3A_585 : i32 to index
    %swap3A_587 = arith.constant 16 : index
    %swap3A_588 = tpu.vector_load %arg7[%swap3A_586, %swap3A_587] {strides = array<i32>} : memref<27x128xf32, #tpu.memory_space<vmem>>, vector<1x16xf32>,
    %swap3A_589 = vector.shape_cast %swap3A_588 : vector<1x16xf32> to vector<16xf32>
    %swap3A_590 = vector.shape_cast %broadcast_in_dim3A_3 : vector<16xf32> to vector<1x16xf32>
    tpu.vector_store %arg7[%swap3A_586, %swap3A_587], %swap3A_590 {strides = array<i32>} : memref<27x128xf32, #tpu.memory_space<vmem>>, vector<1x16xf32>,
    %swap3A_591 = arith.constant 12 : i32
    %swap3A_592 = arith.index_cast %swap3A_591 : i32 to index
    %swap3A_593 = arith.constant 32 : index
    %swap3A_594 = tpu.vector_load %arg7[%swap3A_592, %swap3A_593] {strides = array<i32>} : memref<27x128xf32, #tpu.memory_space<vmem>>, vector<1x16xf32>,
    %swap3A_595 = vector.shape_cast %swap3A_594 : vector<1x16xf32> to vector<16xf32>
    %swap3A_596 = vector.shape_cast %broadcast_in_dim3A_3 : vector<16xf32> to vector<1x16xf32>
    tpu.vector_store %arg7[%swap3A_592, %swap3A_593], %swap3A_596 {strides = array<i32>} : memref<27x128xf32, #tpu.memory_space<vmem>>, vector<1x16xf32>,
    %swap3A_597 = arith.constant 12 : i32
    %swap3A_598 = arith.index_cast %swap3A_597 : i32 to index
    %swap3A_599 = arith.constant 48 : index
    %swap3A_600 = tpu.vector_load %arg7[%swap3A_598, %swap3A_599] {strides = array<i32>} : memref<27x128xf32, #tpu.memory_space<vmem>>, vector<1x16xf32>,
    %swap3A_601 = vector.shape_cast %swap3A_600 : vector<1x16xf32> to vector<16xf32>
    %swap3A_602 = vector.shape_cast %broadcast_in_dim3A_3 : vector<16xf32> to vector<1x16xf32>
    tpu.vector_store %arg7[%swap3A_598, %swap3A_599], %swap3A_602 {strides = array<i32>} : memref<27x128xf32, #tpu.memory_space<vmem>>, vector<1x16xf32>,
    %swap3A_603 = arith.constant 12 : i32
    %swap3A_604 = arith.index_cast %swap3A_603 : i32 to index
    %swap3A_605 = arith.constant 64 : index
    %swap3A_606 = tpu.vector_load %arg7[%swap3A_604, %swap3A_605] {strides = array<i32>} : memref<27x128xf32, #tpu.memory_space<vmem>>, vector<1x16xf32>,
    %swap3A_607 = vector.shape_cast %swap3A_606 : vector<1x16xf32> to vector<16xf32>
    %swap3A_608 = vector.shape_cast %broadcast_in_dim3A_3 : vector<16xf32> to vector<1x16xf32>
    tpu.vector_store %arg7[%swap3A_604, %swap3A_605], %swap3A_608 {strides = array<i32>} : memref<27x128xf32, #tpu.memory_space<vmem>>, vector<1x16xf32>,
    %swap3A_609 = arith.constant 12 : i32
    %swap3A_610 = arith.index_cast %swap3A_609 : i32 to index
    %swap3A_611 = arith.constant 80 : index
    %swap3A_612 = tpu.vector_load %arg7[%swap3A_610, %swap3A_611] {strides = array<i32>} : memref<27x128xf32, #tpu.memory_space<vmem>>, vector<1x16xf32>,
    %swap3A_613 = vector.shape_cast %swap3A_612 : vector<1x16xf32> to vector<16xf32>
    %swap3A_614 = vector.shape_cast %broadcast_in_dim3A_3 : vector<16xf32> to vector<1x16xf32>
    tpu.vector_store %arg7[%swap3A_610, %swap3A_611], %swap3A_614 {strides = array<i32>} : memref<27x128xf32, #tpu.memory_space<vmem>>, vector<1x16xf32>,
    %swap3A_615 = arith.constant 12 : i32
    %swap3A_616 = arith.index_cast %swap3A_615 : i32 to index
    %swap3A_617 = arith.constant 96 : index
    %swap3A_618 = tpu.vector_load %arg7[%swap3A_616, %swap3A_617] {strides = array<i32>} : memref<27x128xf32, #tpu.memory_space<vmem>>, vector<1x16xf32>,
    %swap3A_619 = vector.shape_cast %swap3A_618 : vector<1x16xf32> to vector<16xf32>
    %swap3A_620 = vector.shape_cast %broadcast_in_dim3A_3 : vector<16xf32> to vector<1x16xf32>
    tpu.vector_store %arg7[%swap3A_616, %swap3A_617], %swap3A_620 {strides = array<i32>} : memref<27x128xf32, #tpu.memory_space<vmem>>, vector<1x16xf32>,
    %swap3A_621 = arith.constant 12 : i32
    %swap3A_622 = arith.index_cast %swap3A_621 : i32 to index
    %swap3A_623 = arith.constant 112 : index
    %swap3A_624 = tpu.vector_load %arg7[%swap3A_622, %swap3A_623] {strides = array<i32>} : memref<27x128xf32, #tpu.memory_space<vmem>>, vector<1x16xf32>,
    %swap3A_625 = vector.shape_cast %swap3A_624 : vector<1x16xf32> to vector<16xf32>
    %swap3A_626 = vector.shape_cast %broadcast_in_dim3A_3 : vector<16xf32> to vector<1x16xf32>
    tpu.vector_store %arg7[%swap3A_622, %swap3A_623], %swap3A_626 {strides = array<i32>} : memref<27x128xf32, #tpu.memory_space<vmem>>, vector<1x16xf32>,
    %swap3A_627 = arith.constant 13 : i32
    %swap3A_628 = arith.index_cast %swap3A_627 : i32 to index
    %swap3A_629 = arith.constant 0 : index
    %swap3A_630 = tpu.vector_load %arg7[%swap3A_628, %swap3A_629] {strides = array<i32>} : memref<27x128xf32, #tpu.memory_space<vmem>>, vector<1x16xf32>,
    %swap3A_631 = vector.shape_cast %swap3A_630 : vector<1x16xf32> to vector<16xf32>
    %swap3A_632 = vector.shape_cast %broadcast_in_dim3A_3 : vector<16xf32> to vector<1x16xf32>
    tpu.vector_store %arg7[%swap3A_628, %swap3A_629], %swap3A_632 {strides = array<i32>} : memref<27x128xf32, #tpu.memory_space<vmem>>, vector<1x16xf32>,
    %swap3A_633 = arith.constant 13 : i32
    %swap3A_634 = arith.index_cast %swap3A_633 : i32 to index
    %swap3A_635 = arith.constant 16 : index
    %swap3A_636 = tpu.vector_load %arg7[%swap3A_634, %swap3A_635] {strides = array<i32>} : memref<27x128xf32, #tpu.memory_space<vmem>>, vector<1x16xf32>,
    %swap3A_637 = vector.shape_cast %swap3A_636 : vector<1x16xf32> to vector<16xf32>
    %swap3A_638 = vector.shape_cast %broadcast_in_dim3A_3 : vector<16xf32> to vector<1x16xf32>
    tpu.vector_store %arg7[%swap3A_634, %swap3A_635], %swap3A_638 {strides = array<i32>} : memref<27x128xf32, #tpu.memory_space<vmem>>, vector<1x16xf32>,
    %swap3A_639 = arith.constant 13 : i32
    %swap3A_640 = arith.index_cast %swap3A_639 : i32 to index
    %swap3A_641 = arith.constant 32 : index
    %swap3A_642 = tpu.vector_load %arg7[%swap3A_640, %swap3A_641] {strides = array<i32>} : memref<27x128xf32, #tpu.memory_space<vmem>>, vector<1x16xf32>,
    %swap3A_643 = vector.shape_cast %swap3A_642 : vector<1x16xf32> to vector<16xf32>
    %swap3A_644 = vector.shape_cast %broadcast_in_dim3A_3 : vector<16xf32> to vector<1x16xf32>
    tpu.vector_store %arg7[%swap3A_640, %swap3A_641], %swap3A_644 {strides = array<i32>} : memref<27x128xf32, #tpu.memory_space<vmem>>, vector<1x16xf32>,
    %swap3A_645 = arith.constant 13 : i32
    %swap3A_646 = arith.index_cast %swap3A_645 : i32 to index
    %swap3A_647 = arith.constant 48 : index
    %swap3A_648 = tpu.vector_load %arg7[%swap3A_646, %swap3A_647] {strides = array<i32>} : memref<27x128xf32, #tpu.memory_space<vmem>>, vector<1x16xf32>,
    %swap3A_649 = vector.shape_cast %swap3A_648 : vector<1x16xf32> to vector<16xf32>
    %swap3A_650 = vector.shape_cast %broadcast_in_dim3A_3 : vector<16xf32> to vector<1x16xf32>
    tpu.vector_store %arg7[%swap3A_646, %swap3A_647], %swap3A_650 {strides = array<i32>} : memref<27x128xf32, #tpu.memory_space<vmem>>, vector<1x16xf32>,
    %swap3A_651 = arith.constant 13 : i32
    %swap3A_652 = arith.index_cast %swap3A_651 : i32 to index
    %swap3A_653 = arith.constant 64 : index
    %swap3A_654 = tpu.vector_load %arg7[%swap3A_652, %swap3A_653] {strides = array<i32>} : memref<27x128xf32, #tpu.memory_space<vmem>>, vector<1x16xf32>,
    %swap3A_655 = vector.shape_cast %swap3A_654 : vector<1x16xf32> to vector<16xf32>
    %swap3A_656 = vector.shape_cast %broadcast_in_dim3A_3 : vector<16xf32> to vector<1x16xf32>
    tpu.vector_store %arg7[%swap3A_652, %swap3A_653], %swap3A_656 {strides = array<i32>} : memref<27x128xf32, #tpu.memory_space<vmem>>, vector<1x16xf32>,
    %swap3A_657 = arith.constant 13 : i32
    %swap3A_658 = arith.index_cast %swap3A_657 : i32 to index
    %swap3A_659 = arith.constant 80 : index
    %swap3A_660 = tpu.vector_load %arg7[%swap3A_658, %swap3A_659] {strides = array<i32>} : memref<27x128xf32, #tpu.memory_space<vmem>>, vector<1x16xf32>,
    %swap3A_661 = vector.shape_cast %swap3A_660 : vector<1x16xf32> to vector<16xf32>
    %swap3A_662 = vector.shape_cast %broadcast_in_dim3A_3 : vector<16xf32> to vector<1x16xf32>
    tpu.vector_store %arg7[%swap3A_658, %swap3A_659], %swap3A_662 {strides = array<i32>} : memref<27x128xf32, #tpu.memory_space<vmem>>, vector<1x16xf32>,
    %swap3A_663 = arith.constant 13 : i32
    %swap3A_664 = arith.index_cast %swap3A_663 : i32 to index
    %swap3A_665 = arith.constant 96 : index
    %swap3A_666 = tpu.vector_load %arg7[%swap3A_664, %swap3A_665] {strides = array<i32>} : memref<27x128xf32, #tpu.memory_space<vmem>>, vector<1x16xf32>,
    %swap3A_667 = vector.shape_cast %swap3A_666 : vector<1x16xf32> to vector<16xf32>
    %swap3A_668 = vector.shape_cast %broadcast_in_dim3A_3 : vector<16xf32> to vector<1x16xf32>
    tpu.vector_store %arg7[%swap3A_664, %swap3A_665], %swap3A_668 {strides = array<i32>} : memref<27x128xf32, #tpu.memory_space<vmem>>, vector<1x16xf32>,
    %swap3A_669 = arith.constant 13 : i32
    %swap3A_670 = arith.index_cast %swap3A_669 : i32 to index
    %swap3A_671 = arith.constant 112 : index
    %swap3A_672 = tpu.vector_load %arg7[%swap3A_670, %swap3A_671] {strides = array<i32>} : memref<27x128xf32, #tpu.memory_space<vmem>>, vector<1x16xf32>,
    %swap3A_673 = vector.shape_cast %swap3A_672 : vector<1x16xf32> to vector<16xf32>
    %swap3A_674 = vector.shape_cast %broadcast_in_dim3A_3 : vector<16xf32> to vector<1x16xf32>
    tpu.vector_store %arg7[%swap3A_670, %swap3A_671], %swap3A_674 {strides = array<i32>} : memref<27x128xf32, #tpu.memory_space<vmem>>, vector<1x16xf32>,
    %swap3A_675 = arith.constant 14 : i32
    %swap3A_676 = arith.index_cast %swap3A_675 : i32 to index
    %swap3A_677 = arith.constant 0 : index
    %swap3A_678 = tpu.vector_load %arg7[%swap3A_676, %swap3A_677] {strides = array<i32>} : memref<27x128xf32, #tpu.memory_space<vmem>>, vector<1x16xf32>,
    %swap3A_679 = vector.shape_cast %swap3A_678 : vector<1x16xf32> to vector<16xf32>
    %swap3A_680 = vector.shape_cast %broadcast_in_dim3A_3 : vector<16xf32> to vector<1x16xf32>
    tpu.vector_store %arg7[%swap3A_676, %swap3A_677], %swap3A_680 {strides = array<i32>} : memref<27x128xf32, #tpu.memory_space<vmem>>, vector<1x16xf32>,
    %swap3A_681 = arith.constant 14 : i32
    %swap3A_682 = arith.index_cast %swap3A_681 : i32 to index
    %swap3A_683 = arith.constant 16 : index
    %swap3A_684 = tpu.vector_load %arg7[%swap3A_682, %swap3A_683] {strides = array<i32>} : memref<27x128xf32, #tpu.memory_space<vmem>>, vector<1x16xf32>,
    %swap3A_685 = vector.shape_cast %swap3A_684 : vector<1x16xf32> to vector<16xf32>
    %swap3A_686 = vector.shape_cast %broadcast_in_dim3A_3 : vector<16xf32> to vector<1x16xf32>
    tpu.vector_store %arg7[%swap3A_682, %swap3A_683], %swap3A_686 {strides = array<i32>} : memref<27x128xf32, #tpu.memory_space<vmem>>, vector<1x16xf32>,
    %swap3A_687 = arith.constant 14 : i32
    %swap3A_688 = arith.index_cast %swap3A_687 : i32 to index
    %swap3A_689 = arith.constant 32 : index
    %swap3A_690 = tpu.vector_load %arg7[%swap3A_688, %swap3A_689] {strides = array<i32>} : memref<27x128xf32, #tpu.memory_space<vmem>>, vector<1x16xf32>,
    %swap3A_691 = vector.shape_cast %swap3A_690 : vector<1x16xf32> to vector<16xf32>
    %swap3A_692 = vector.shape_cast %broadcast_in_dim3A_3 : vector<16xf32> to vector<1x16xf32>
    tpu.vector_store %arg7[%swap3A_688, %swap3A_689], %swap3A_692 {strides = array<i32>} : memref<27x128xf32, #tpu.memory_space<vmem>>, vector<1x16xf32>,
    %swap3A_693 = arith.constant 14 : i32
    %swap3A_694 = arith.index_cast %swap3A_693 : i32 to index
    %swap3A_695 = arith.constant 48 : index
    %swap3A_696 = tpu.vector_load %arg7[%swap3A_694, %swap3A_695] {strides = array<i32>} : memref<27x128xf32, #tpu.memory_space<vmem>>, vector<1x16xf32>,
    %swap3A_697 = vector.shape_cast %swap3A_696 : vector<1x16xf32> to vector<16xf32>
    %swap3A_698 = vector.shape_cast %broadcast_in_dim3A_3 : vector<16xf32> to vector<1x16xf32>
    tpu.vector_store %arg7[%swap3A_694, %swap3A_695], %swap3A_698 {strides = array<i32>} : memref<27x128xf32, #tpu.memory_space<vmem>>, vector<1x16xf32>,
    %swap3A_699 = arith.constant 14 : i32
    %swap3A_700 = arith.index_cast %swap3A_699 : i32 to index
    %swap3A_701 = arith.constant 64 : index
    %swap3A_702 = tpu.vector_load %arg7[%swap3A_700, %swap3A_701] {strides = array<i32>} : memref<27x128xf32, #tpu.memory_space<vmem>>, vector<1x16xf32>,
    %swap3A_703 = vector.shape_cast %swap3A_702 : vector<1x16xf32> to vector<16xf32>
    %swap3A_704 = vector.shape_cast %broadcast_in_dim3A_3 : vector<16xf32> to vector<1x16xf32>
    tpu.vector_store %arg7[%swap3A_700, %swap3A_701], %swap3A_704 {strides = array<i32>} : memref<27x128xf32, #tpu.memory_space<vmem>>, vector<1x16xf32>,
    %swap3A_705 = arith.constant 14 : i32
    %swap3A_706 = arith.index_cast %swap3A_705 : i32 to index
    %swap3A_707 = arith.constant 80 : index
    %swap3A_708 = tpu.vector_load %arg7[%swap3A_706, %swap3A_707] {strides = array<i32>} : memref<27x128xf32, #tpu.memory_space<vmem>>, vector<1x16xf32>,
    %swap3A_709 = vector.shape_cast %swap3A_708 : vector<1x16xf32> to vector<16xf32>
    %swap3A_710 = vector.shape_cast %broadcast_in_dim3A_3 : vector<16xf32> to vector<1x16xf32>
    tpu.vector_store %arg7[%swap3A_706, %swap3A_707], %swap3A_710 {strides = array<i32>} : memref<27x128xf32, #tpu.memory_space<vmem>>, vector<1x16xf32>,
    %swap3A_711 = arith.constant 14 : i32
    %swap3A_712 = arith.index_cast %swap3A_711 : i32 to index
    %swap3A_713 = arith.constant 96 : index
    %swap3A_714 = tpu.vector_load %arg7[%swap3A_712, %swap3A_713] {strides = array<i32>} : memref<27x128xf32, #tpu.memory_space<vmem>>, vector<1x16xf32>,
    %swap3A_715 = vector.shape_cast %swap3A_714 : vector<1x16xf32> to vector<16xf32>
    %swap3A_716 = vector.shape_cast %broadcast_in_dim3A_3 : vector<16xf32> to vector<1x16xf32>
    tpu.vector_store %arg7[%swap3A_712, %swap3A_713], %swap3A_716 {strides = array<i32>} : memref<27x128xf32, #tpu.memory_space<vmem>>, vector<1x16xf32>,
    %swap3A_717 = arith.constant 14 : i32
    %swap3A_718 = arith.index_cast %swap3A_717 : i32 to index
    %swap3A_719 = arith.constant 112 : index
    %swap3A_720 = tpu.vector_load %arg7[%swap3A_718, %swap3A_719] {strides = array<i32>} : memref<27x128xf32, #tpu.memory_space<vmem>>, vector<1x16xf32>,
    %swap3A_721 = vector.shape_cast %swap3A_720 : vector<1x16xf32> to vector<16xf32>
    %swap3A_722 = vector.shape_cast %broadcast_in_dim3A_3 : vector<16xf32> to vector<1x16xf32>
    tpu.vector_store %arg7[%swap3A_718, %swap3A_719], %swap3A_722 {strides = array<i32>} : memref<27x128xf32, #tpu.memory_space<vmem>>, vector<1x16xf32>,
    %swap3A_723 = arith.constant 15 : i32
    %swap3A_724 = arith.index_cast %swap3A_723 : i32 to index
    %swap3A_725 = arith.constant 0 : index
    %swap3A_726 = tpu.vector_load %arg7[%swap3A_724, %swap3A_725] {strides = array<i32>} : memref<27x128xf32, #tpu.memory_space<vmem>>, vector<1x16xf32>,
    %swap3A_727 = vector.shape_cast %swap3A_726 : vector<1x16xf32> to vector<16xf32>
    %swap3A_728 = vector.shape_cast %broadcast_in_dim3A_3 : vector<16xf32> to vector<1x16xf32>
    tpu.vector_store %arg7[%swap3A_724, %swap3A_725], %swap3A_728 {strides = array<i32>} : memref<27x128xf32, #tpu.memory_space<vmem>>, vector<1x16xf32>,
    %swap3A_729 = arith.constant 15 : i32
    %swap3A_730 = arith.index_cast %swap3A_729 : i32 to index
    %swap3A_731 = arith.constant 16 : index
    %swap3A_732 = tpu.vector_load %arg7[%swap3A_730, %swap3A_731] {strides = array<i32>} : memref<27x128xf32, #tpu.memory_space<vmem>>, vector<1x16xf32>,
    %swap3A_733 = vector.shape_cast %swap3A_732 : vector<1x16xf32> to vector<16xf32>
    %swap3A_734 = vector.shape_cast %broadcast_in_dim3A_3 : vector<16xf32> to vector<1x16xf32>
    tpu.vector_store %arg7[%swap3A_730, %swap3A_731], %swap3A_734 {strides = array<i32>} : memref<27x128xf32, #tpu.memory_space<vmem>>, vector<1x16xf32>,
    %swap3A_735 = arith.constant 15 : i32
    %swap3A_736 = arith.index_cast %swap3A_735 : i32 to index
    %swap3A_737 = arith.constant 32 : index
    %swap3A_738 = tpu.vector_load %arg7[%swap3A_736, %swap3A_737] {strides = array<i32>} : memref<27x128xf32, #tpu.memory_space<vmem>>, vector<1x16xf32>,
    %swap3A_739 = vector.shape_cast %swap3A_738 : vector<1x16xf32> to vector<16xf32>
    %swap3A_740 = vector.shape_cast %broadcast_in_dim3A_3 : vector<16xf32> to vector<1x16xf32>
    tpu.vector_store %arg7[%swap3A_736, %swap3A_737], %swap3A_740 {strides = array<i32>} : memref<27x128xf32, #tpu.memory_space<vmem>>, vector<1x16xf32>,
    %swap3A_741 = arith.constant 15 : i32
    %swap3A_742 = arith.index_cast %swap3A_741 : i32 to index
    %swap3A_743 = arith.constant 48 : index
    %swap3A_744 = tpu.vector_load %arg7[%swap3A_742, %swap3A_743] {strides = array<i32>} : memref<27x128xf32, #tpu.memory_space<vmem>>, vector<1x16xf32>,
    %swap3A_745 = vector.shape_cast %swap3A_744 : vector<1x16xf32> to vector<16xf32>
    %swap3A_746 = vector.shape_cast %broadcast_in_dim3A_3 : vector<16xf32> to vector<1x16xf32>
    tpu.vector_store %arg7[%swap3A_742, %swap3A_743], %swap3A_746 {strides = array<i32>} : memref<27x128xf32, #tpu.memory_space<vmem>>, vector<1x16xf32>,
    %swap3A_747 = arith.constant 15 : i32
    %swap3A_748 = arith.index_cast %swap3A_747 : i32 to index
    %swap3A_749 = arith.constant 64 : index
    %swap3A_750 = tpu.vector_load %arg7[%swap3A_748, %swap3A_749] {strides = array<i32>} : memref<27x128xf32, #tpu.memory_space<vmem>>, vector<1x16xf32>,
    %swap3A_751 = vector.shape_cast %swap3A_750 : vector<1x16xf32> to vector<16xf32>
    %swap3A_752 = vector.shape_cast %broadcast_in_dim3A_3 : vector<16xf32> to vector<1x16xf32>
    tpu.vector_store %arg7[%swap3A_748, %swap3A_749], %swap3A_752 {strides = array<i32>} : memref<27x128xf32, #tpu.memory_space<vmem>>, vector<1x16xf32>,
    %swap3A_753 = arith.constant 15 : i32
    %swap3A_754 = arith.index_cast %swap3A_753 : i32 to index
    %swap3A_755 = arith.constant 80 : index
    %swap3A_756 = tpu.vector_load %arg7[%swap3A_754, %swap3A_755] {strides = array<i32>} : memref<27x128xf32, #tpu.memory_space<vmem>>, vector<1x16xf32>,
    %swap3A_757 = vector.shape_cast %swap3A_756 : vector<1x16xf32> to vector<16xf32>
    %swap3A_758 = vector.shape_cast %broadcast_in_dim3A_3 : vector<16xf32> to vector<1x16xf32>
    tpu.vector_store %arg7[%swap3A_754, %swap3A_755], %swap3A_758 {strides = array<i32>} : memref<27x128xf32, #tpu.memory_space<vmem>>, vector<1x16xf32>,
    %swap3A_759 = arith.constant 15 : i32
    %swap3A_760 = arith.index_cast %swap3A_759 : i32 to index
    %swap3A_761 = arith.constant 96 : index
    %swap3A_762 = tpu.vector_load %arg7[%swap3A_760, %swap3A_761] {strides = array<i32>} : memref<27x128xf32, #tpu.memory_space<vmem>>, vector<1x16xf32>,
    %swap3A_763 = vector.shape_cast %swap3A_762 : vector<1x16xf32> to vector<16xf32>
    %swap3A_764 = vector.shape_cast %broadcast_in_dim3A_3 : vector<16xf32> to vector<1x16xf32>
    tpu.vector_store %arg7[%swap3A_760, %swap3A_761], %swap3A_764 {strides = array<i32>} : memref<27x128xf32, #tpu.memory_space<vmem>>, vector<1x16xf32>,
    %swap3A_765 = arith.constant 15 : i32
    %swap3A_766 = arith.index_cast %swap3A_765 : i32 to index
    %swap3A_767 = arith.constant 112 : index
    %swap3A_768 = tpu.vector_load %arg7[%swap3A_766, %swap3A_767] {strides = array<i32>} : memref<27x128xf32, #tpu.memory_space<vmem>>, vector<1x16xf32>,
    %swap3A_769 = vector.shape_cast %swap3A_768 : vector<1x16xf32> to vector<16xf32>
    %swap3A_770 = vector.shape_cast %broadcast_in_dim3A_3 : vector<16xf32> to vector<1x16xf32>
    tpu.vector_store %arg7[%swap3A_766, %swap3A_767], %swap3A_770 {strides = array<i32>} : memref<27x128xf32, #tpu.memory_space<vmem>>, vector<1x16xf32>,
    %swap3A_771 = arith.constant 16 : i32
    %swap3A_772 = arith.index_cast %swap3A_771 : i32 to index
    %swap3A_773 = arith.constant 0 : index
    %swap3A_774 = tpu.vector_load %arg7[%swap3A_772, %swap3A_773] {strides = array<i32>} : memref<27x128xf32, #tpu.memory_space<vmem>>, vector<1x16xf32>,
    %swap3A_775 = vector.shape_cast %swap3A_774 : vector<1x16xf32> to vector<16xf32>
    %swap3A_776 = vector.shape_cast %broadcast_in_dim3A_3 : vector<16xf32> to vector<1x16xf32>
    tpu.vector_store %arg7[%swap3A_772, %swap3A_773], %swap3A_776 {strides = array<i32>} : memref<27x128xf32, #tpu.memory_space<vmem>>, vector<1x16xf32>,
    %swap3A_777 = arith.constant 16 : i32
    %swap3A_778 = arith.index_cast %swap3A_777 : i32 to index
    %swap3A_779 = arith.constant 16 : index
    %swap3A_780 = tpu.vector_load %arg7[%swap3A_778, %swap3A_779] {strides = array<i32>} : memref<27x128xf32, #tpu.memory_space<vmem>>, vector<1x16xf32>,
    %swap3A_781 = vector.shape_cast %swap3A_780 : vector<1x16xf32> to vector<16xf32>
    %swap3A_782 = vector.shape_cast %broadcast_in_dim3A_3 : vector<16xf32> to vector<1x16xf32>
    tpu.vector_store %arg7[%swap3A_778, %swap3A_779], %swap3A_782 {strides = array<i32>} : memref<27x128xf32, #tpu.memory_space<vmem>>, vector<1x16xf32>,
    %swap3A_783 = arith.constant 16 : i32
    %swap3A_784 = arith.index_cast %swap3A_783 : i32 to index
    %swap3A_785 = arith.constant 32 : index
    %swap3A_786 = tpu.vector_load %arg7[%swap3A_784, %swap3A_785] {strides = array<i32>} : memref<27x128xf32, #tpu.memory_space<vmem>>, vector<1x16xf32>,
    %swap3A_787 = vector.shape_cast %swap3A_786 : vector<1x16xf32> to vector<16xf32>
    %swap3A_788 = vector.shape_cast %broadcast_in_dim3A_3 : vector<16xf32> to vector<1x16xf32>
    tpu.vector_store %arg7[%swap3A_784, %swap3A_785], %swap3A_788 {strides = array<i32>} : memref<27x128xf32, #tpu.memory_space<vmem>>, vector<1x16xf32>,
    %swap3A_789 = arith.constant 16 : i32
    %swap3A_790 = arith.index_cast %swap3A_789 : i32 to index
    %swap3A_791 = arith.constant 48 : index
    %swap3A_792 = tpu.vector_load %arg7[%swap3A_790, %swap3A_791] {strides = array<i32>} : memref<27x128xf32, #tpu.memory_space<vmem>>, vector<1x16xf32>,
    %swap3A_793 = vector.shape_cast %swap3A_792 : vector<1x16xf32> to vector<16xf32>
    %swap3A_794 = vector.shape_cast %broadcast_in_dim3A_3 : vector<16xf32> to vector<1x16xf32>
    tpu.vector_store %arg7[%swap3A_790, %swap3A_791], %swap3A_794 {strides = array<i32>} : memref<27x128xf32, #tpu.memory_space<vmem>>, vector<1x16xf32>,
    %swap3A_795 = arith.constant 16 : i32
    %swap3A_796 = arith.index_cast %swap3A_795 : i32 to index
    %swap3A_797 = arith.constant 64 : index
    %swap3A_798 = tpu.vector_load %arg7[%swap3A_796, %swap3A_797] {strides = array<i32>} : memref<27x128xf32, #tpu.memory_space<vmem>>, vector<1x16xf32>,
    %swap3A_799 = vector.shape_cast %swap3A_798 : vector<1x16xf32> to vector<16xf32>
    %swap3A_800 = vector.shape_cast %broadcast_in_dim3A_3 : vector<16xf32> to vector<1x16xf32>
    tpu.vector_store %arg7[%swap3A_796, %swap3A_797], %swap3A_800 {strides = array<i32>} : memref<27x128xf32, #tpu.memory_space<vmem>>, vector<1x16xf32>,
    %swap3A_801 = arith.constant 16 : i32
    %swap3A_802 = arith.index_cast %swap3A_801 : i32 to index
    %swap3A_803 = arith.constant 80 : index
    %swap3A_804 = tpu.vector_load %arg7[%swap3A_802, %swap3A_803] {strides = array<i32>} : memref<27x128xf32, #tpu.memory_space<vmem>>, vector<1x16xf32>,
    %swap3A_805 = vector.shape_cast %swap3A_804 : vector<1x16xf32> to vector<16xf32>
    %swap3A_806 = vector.shape_cast %broadcast_in_dim3A_3 : vector<16xf32> to vector<1x16xf32>
    tpu.vector_store %arg7[%swap3A_802, %swap3A_803], %swap3A_806 {strides = array<i32>} : memref<27x128xf32, #tpu.memory_space<vmem>>, vector<1x16xf32>,
    %swap3A_807 = arith.constant 16 : i32
    %swap3A_808 = arith.index_cast %swap3A_807 : i32 to index
    %swap3A_809 = arith.constant 96 : index
    %swap3A_810 = tpu.vector_load %arg7[%swap3A_808, %swap3A_809] {strides = array<i32>} : memref<27x128xf32, #tpu.memory_space<vmem>>, vector<1x16xf32>,
    %swap3A_811 = vector.shape_cast %swap3A_810 : vector<1x16xf32> to vector<16xf32>
    %swap3A_812 = vector.shape_cast %broadcast_in_dim3A_3 : vector<16xf32> to vector<1x16xf32>
    tpu.vector_store %arg7[%swap3A_808, %swap3A_809], %swap3A_812 {strides = array<i32>} : memref<27x128xf32, #tpu.memory_space<vmem>>, vector<1x16xf32>,
    %swap3A_813 = arith.constant 16 : i32
    %swap3A_814 = arith.index_cast %swap3A_813 : i32 to index
    %swap3A_815 = arith.constant 112 : index
    %swap3A_816 = tpu.vector_load %arg7[%swap3A_814, %swap3A_815] {strides = array<i32>} : memref<27x128xf32, #tpu.memory_space<vmem>>, vector<1x16xf32>,
    %swap3A_817 = vector.shape_cast %swap3A_816 : vector<1x16xf32> to vector<16xf32>
    %swap3A_818 = vector.shape_cast %broadcast_in_dim3A_3 : vector<16xf32> to vector<1x16xf32>
    tpu.vector_store %arg7[%swap3A_814, %swap3A_815], %swap3A_818 {strides = array<i32>} : memref<27x128xf32, #tpu.memory_space<vmem>>, vector<1x16xf32>,
    %swap3A_819 = arith.constant 17 : i32
    %swap3A_820 = arith.index_cast %swap3A_819 : i32 to index
    %swap3A_821 = arith.constant 0 : index
    %swap3A_822 = tpu.vector_load %arg7[%swap3A_820, %swap3A_821] {strides = array<i32>} : memref<27x128xf32, #tpu.memory_space<vmem>>, vector<1x16xf32>,
    %swap3A_823 = vector.shape_cast %swap3A_822 : vector<1x16xf32> to vector<16xf32>
    %swap3A_824 = vector.shape_cast %broadcast_in_dim3A_3 : vector<16xf32> to vector<1x16xf32>
    tpu.vector_store %arg7[%swap3A_820, %swap3A_821], %swap3A_824 {strides = array<i32>} : memref<27x128xf32, #tpu.memory_space<vmem>>, vector<1x16xf32>,
    %swap3A_825 = arith.constant 17 : i32
    %swap3A_826 = arith.index_cast %swap3A_825 : i32 to index
    %swap3A_827 = arith.constant 16 : index
    %swap3A_828 = tpu.vector_load %arg7[%swap3A_826, %swap3A_827] {strides = array<i32>} : memref<27x128xf32, #tpu.memory_space<vmem>>, vector<1x16xf32>,
    %swap3A_829 = vector.shape_cast %swap3A_828 : vector<1x16xf32> to vector<16xf32>
    %swap3A_830 = vector.shape_cast %broadcast_in_dim3A_3 : vector<16xf32> to vector<1x16xf32>
    tpu.vector_store %arg7[%swap3A_826, %swap3A_827], %swap3A_830 {strides = array<i32>} : memref<27x128xf32, #tpu.memory_space<vmem>>, vector<1x16xf32>,
    %swap3A_831 = arith.constant 17 : i32
    %swap3A_832 = arith.index_cast %swap3A_831 : i32 to index
    %swap3A_833 = arith.constant 32 : index
    %swap3A_834 = tpu.vector_load %arg7[%swap3A_832, %swap3A_833] {strides = array<i32>} : memref<27x128xf32, #tpu.memory_space<vmem>>, vector<1x16xf32>,
    %swap3A_835 = vector.shape_cast %swap3A_834 : vector<1x16xf32> to vector<16xf32>
    %swap3A_836 = vector.shape_cast %broadcast_in_dim3A_3 : vector<16xf32> to vector<1x16xf32>
    tpu.vector_store %arg7[%swap3A_832, %swap3A_833], %swap3A_836 {strides = array<i32>} : memref<27x128xf32, #tpu.memory_space<vmem>>, vector<1x16xf32>,
    %swap3A_837 = arith.constant 17 : i32
    %swap3A_838 = arith.index_cast %swap3A_837 : i32 to index
    %swap3A_839 = arith.constant 48 : index
    %swap3A_840 = tpu.vector_load %arg7[%swap3A_838, %swap3A_839] {strides = array<i32>} : memref<27x128xf32, #tpu.memory_space<vmem>>, vector<1x16xf32>,
    %swap3A_841 = vector.shape_cast %swap3A_840 : vector<1x16xf32> to vector<16xf32>
    %swap3A_842 = vector.shape_cast %broadcast_in_dim3A_3 : vector<16xf32> to vector<1x16xf32>
    tpu.vector_store %arg7[%swap3A_838, %swap3A_839], %swap3A_842 {strides = array<i32>} : memref<27x128xf32, #tpu.memory_space<vmem>>, vector<1x16xf32>,
    %swap3A_843 = arith.constant 17 : i32
    %swap3A_844 = arith.index_cast %swap3A_843 : i32 to index
    %swap3A_845 = arith.constant 64 : index
    %swap3A_846 = tpu.vector_load %arg7[%swap3A_844, %swap3A_845] {strides = array<i32>} : memref<27x128xf32, #tpu.memory_space<vmem>>, vector<1x16xf32>,
    %swap3A_847 = vector.shape_cast %swap3A_846 : vector<1x16xf32> to vector<16xf32>
    %swap3A_848 = vector.shape_cast %broadcast_in_dim3A_3 : vector<16xf32> to vector<1x16xf32>
    tpu.vector_store %arg7[%swap3A_844, %swap3A_845], %swap3A_848 {strides = array<i32>} : memref<27x128xf32, #tpu.memory_space<vmem>>, vector<1x16xf32>,
    %swap3A_849 = arith.constant 17 : i32
    %swap3A_850 = arith.index_cast %swap3A_849 : i32 to index
    %swap3A_851 = arith.constant 80 : index
    %swap3A_852 = tpu.vector_load %arg7[%swap3A_850, %swap3A_851] {strides = array<i32>} : memref<27x128xf32, #tpu.memory_space<vmem>>, vector<1x16xf32>,
    %swap3A_853 = vector.shape_cast %swap3A_852 : vector<1x16xf32> to vector<16xf32>
    %swap3A_854 = vector.shape_cast %broadcast_in_dim3A_3 : vector<16xf32> to vector<1x16xf32>
    tpu.vector_store %arg7[%swap3A_850, %swap3A_851], %swap3A_854 {strides = array<i32>} : memref<27x128xf32, #tpu.memory_space<vmem>>, vector<1x16xf32>,
    %swap3A_855 = arith.constant 17 : i32
    %swap3A_856 = arith.index_cast %swap3A_855 : i32 to index
    %swap3A_857 = arith.constant 96 : index
    %swap3A_858 = tpu.vector_load %arg7[%swap3A_856, %swap3A_857] {strides = array<i32>} : memref<27x128xf32, #tpu.memory_space<vmem>>, vector<1x16xf32>,
    %swap3A_859 = vector.shape_cast %swap3A_858 : vector<1x16xf32> to vector<16xf32>
    %swap3A_860 = vector.shape_cast %broadcast_in_dim3A_3 : vector<16xf32> to vector<1x16xf32>
    tpu.vector_store %arg7[%swap3A_856, %swap3A_857], %swap3A_860 {strides = array<i32>} : memref<27x128xf32, #tpu.memory_space<vmem>>, vector<1x16xf32>,
    %swap3A_861 = arith.constant 17 : i32
    %swap3A_862 = arith.index_cast %swap3A_861 : i32 to index
    %swap3A_863 = arith.constant 112 : index
    %swap3A_864 = tpu.vector_load %arg7[%swap3A_862, %swap3A_863] {strides = array<i32>} : memref<27x128xf32, #tpu.memory_space<vmem>>, vector<1x16xf32>,
    %swap3A_865 = vector.shape_cast %swap3A_864 : vector<1x16xf32> to vector<16xf32>
    %swap3A_866 = vector.shape_cast %broadcast_in_dim3A_3 : vector<16xf32> to vector<1x16xf32>
    tpu.vector_store %arg7[%swap3A_862, %swap3A_863], %swap3A_866 {strides = array<i32>} : memref<27x128xf32, #tpu.memory_space<vmem>>, vector<1x16xf32>,
    %swap3A_867 = arith.constant 18 : i32
    %swap3A_868 = arith.index_cast %swap3A_867 : i32 to index
    %swap3A_869 = arith.constant 0 : index
    %swap3A_870 = tpu.vector_load %arg7[%swap3A_868, %swap3A_869] {strides = array<i32>} : memref<27x128xf32, #tpu.memory_space<vmem>>, vector<1x16xf32>,
    %swap3A_871 = vector.shape_cast %swap3A_870 : vector<1x16xf32> to vector<16xf32>
    %swap3A_872 = vector.shape_cast %broadcast_in_dim3A_3 : vector<16xf32> to vector<1x16xf32>
    tpu.vector_store %arg7[%swap3A_868, %swap3A_869], %swap3A_872 {strides = array<i32>} : memref<27x128xf32, #tpu.memory_space<vmem>>, vector<1x16xf32>,
    %swap3A_873 = arith.constant 18 : i32
    %swap3A_874 = arith.index_cast %swap3A_873 : i32 to index
    %swap3A_875 = arith.constant 16 : index
    %swap3A_876 = tpu.vector_load %arg7[%swap3A_874, %swap3A_875] {strides = array<i32>} : memref<27x128xf32, #tpu.memory_space<vmem>>, vector<1x16xf32>,
    %swap3A_877 = vector.shape_cast %swap3A_876 : vector<1x16xf32> to vector<16xf32>
    %swap3A_878 = vector.shape_cast %broadcast_in_dim3A_3 : vector<16xf32> to vector<1x16xf32>
    tpu.vector_store %arg7[%swap3A_874, %swap3A_875], %swap3A_878 {strides = array<i32>} : memref<27x128xf32, #tpu.memory_space<vmem>>, vector<1x16xf32>,
    %swap3A_879 = arith.constant 18 : i32
    %swap3A_880 = arith.index_cast %swap3A_879 : i32 to index
    %swap3A_881 = arith.constant 32 : index
    %swap3A_882 = tpu.vector_load %arg7[%swap3A_880, %swap3A_881] {strides = array<i32>} : memref<27x128xf32, #tpu.memory_space<vmem>>, vector<1x16xf32>,
    %swap3A_883 = vector.shape_cast %swap3A_882 : vector<1x16xf32> to vector<16xf32>
    %swap3A_884 = vector.shape_cast %broadcast_in_dim3A_3 : vector<16xf32> to vector<1x16xf32>
    tpu.vector_store %arg7[%swap3A_880, %swap3A_881], %swap3A_884 {strides = array<i32>} : memref<27x128xf32, #tpu.memory_space<vmem>>, vector<1x16xf32>,
    %swap3A_885 = arith.constant 18 : i32
    %swap3A_886 = arith.index_cast %swap3A_885 : i32 to index
    %swap3A_887 = arith.constant 48 : index
    %swap3A_888 = tpu.vector_load %arg7[%swap3A_886, %swap3A_887] {strides = array<i32>} : memref<27x128xf32, #tpu.memory_space<vmem>>, vector<1x16xf32>,
    %swap3A_889 = vector.shape_cast %swap3A_888 : vector<1x16xf32> to vector<16xf32>
    %swap3A_890 = vector.shape_cast %broadcast_in_dim3A_3 : vector<16xf32> to vector<1x16xf32>
    tpu.vector_store %arg7[%swap3A_886, %swap3A_887], %swap3A_890 {strides = array<i32>} : memref<27x128xf32, #tpu.memory_space<vmem>>, vector<1x16xf32>,
    %swap3A_891 = arith.constant 18 : i32
    %swap3A_892 = arith.index_cast %swap3A_891 : i32 to index
    %swap3A_893 = arith.constant 64 : index
    %swap3A_894 = tpu.vector_load %arg7[%swap3A_892, %swap3A_893] {strides = array<i32>} : memref<27x128xf32, #tpu.memory_space<vmem>>, vector<1x16xf32>,
    %swap3A_895 = vector.shape_cast %swap3A_894 : vector<1x16xf32> to vector<16xf32>
    %swap3A_896 = vector.shape_cast %broadcast_in_dim3A_3 : vector<16xf32> to vector<1x16xf32>
    tpu.vector_store %arg7[%swap3A_892, %swap3A_893], %swap3A_896 {strides = array<i32>} : memref<27x128xf32, #tpu.memory_space<vmem>>, vector<1x16xf32>,
    %swap3A_897 = arith.constant 18 : i32
    %swap3A_898 = arith.index_cast %swap3A_897 : i32 to index
    %swap3A_899 = arith.constant 80 : index
    %swap3A_900 = tpu.vector_load %arg7[%swap3A_898, %swap3A_899] {strides = array<i32>} : memref<27x128xf32, #tpu.memory_space<vmem>>, vector<1x16xf32>,
    %swap3A_901 = vector.shape_cast %swap3A_900 : vector<1x16xf32> to vector<16xf32>
    %swap3A_902 = vector.shape_cast %broadcast_in_dim3A_3 : vector<16xf32> to vector<1x16xf32>
    tpu.vector_store %arg7[%swap3A_898, %swap3A_899], %swap3A_902 {strides = array<i32>} : memref<27x128xf32, #tpu.memory_space<vmem>>, vector<1x16xf32>,
    %swap3A_903 = arith.constant 18 : i32
    %swap3A_904 = arith.index_cast %swap3A_903 : i32 to index
    %swap3A_905 = arith.constant 96 : index
    %swap3A_906 = tpu.vector_load %arg7[%swap3A_904, %swap3A_905] {strides = array<i32>} : memref<27x128xf32, #tpu.memory_space<vmem>>, vector<1x16xf32>,
    %swap3A_907 = vector.shape_cast %swap3A_906 : vector<1x16xf32> to vector<16xf32>
    %swap3A_908 = vector.shape_cast %broadcast_in_dim3A_3 : vector<16xf32> to vector<1x16xf32>
    tpu.vector_store %arg7[%swap3A_904, %swap3A_905], %swap3A_908 {strides = array<i32>} : memref<27x128xf32, #tpu.memory_space<vmem>>, vector<1x16xf32>,
    %swap3A_909 = arith.constant 18 : i32
    %swap3A_910 = arith.index_cast %swap3A_909 : i32 to index
    %swap3A_911 = arith.constant 112 : index
    %swap3A_912 = tpu.vector_load %arg7[%swap3A_910, %swap3A_911] {strides = array<i32>} : memref<27x128xf32, #tpu.memory_space<vmem>>, vector<1x16xf32>,
    %swap3A_913 = vector.shape_cast %swap3A_912 : vector<1x16xf32> to vector<16xf32>
    %swap3A_914 = vector.shape_cast %broadcast_in_dim3A_3 : vector<16xf32> to vector<1x16xf32>
    tpu.vector_store %arg7[%swap3A_910, %swap3A_911], %swap3A_914 {strides = array<i32>} : memref<27x128xf32, #tpu.memory_space<vmem>>, vector<1x16xf32>,
    %swap3A_915 = arith.constant 19 : i32
    %swap3A_916 = arith.index_cast %swap3A_915 : i32 to index
    %swap3A_917 = arith.constant 0 : index
    %swap3A_918 = tpu.vector_load %arg7[%swap3A_916, %swap3A_917] {strides = array<i32>} : memref<27x128xf32, #tpu.memory_space<vmem>>, vector<1x16xf32>,
    %swap3A_919 = vector.shape_cast %swap3A_918 : vector<1x16xf32> to vector<16xf32>
    %swap3A_920 = vector.shape_cast %broadcast_in_dim3A_3 : vector<16xf32> to vector<1x16xf32>
    tpu.vector_store %arg7[%swap3A_916, %swap3A_917], %swap3A_920 {strides = array<i32>} : memref<27x128xf32, #tpu.memory_space<vmem>>, vector<1x16xf32>,
    %swap3A_921 = arith.constant 19 : i32
    %swap3A_922 = arith.index_cast %swap3A_921 : i32 to index
    %swap3A_923 = arith.constant 16 : index
    %swap3A_924 = tpu.vector_load %arg7[%swap3A_922, %swap3A_923] {strides = array<i32>} : memref<27x128xf32, #tpu.memory_space<vmem>>, vector<1x16xf32>,
    %swap3A_925 = vector.shape_cast %swap3A_924 : vector<1x16xf32> to vector<16xf32>
    %swap3A_926 = vector.shape_cast %broadcast_in_dim3A_3 : vector<16xf32> to vector<1x16xf32>
    tpu.vector_store %arg7[%swap3A_922, %swap3A_923], %swap3A_926 {strides = array<i32>} : memref<27x128xf32, #tpu.memory_space<vmem>>, vector<1x16xf32>,
    %swap3A_927 = arith.constant 19 : i32
    %swap3A_928 = arith.index_cast %swap3A_927 : i32 to index
    %swap3A_929 = arith.constant 32 : index
    %swap3A_930 = tpu.vector_load %arg7[%swap3A_928, %swap3A_929] {strides = array<i32>} : memref<27x128xf32, #tpu.memory_space<vmem>>, vector<1x16xf32>,
    %swap3A_931 = vector.shape_cast %swap3A_930 : vector<1x16xf32> to vector<16xf32>
    %swap3A_932 = vector.shape_cast %broadcast_in_dim3A_3 : vector<16xf32> to vector<1x16xf32>
    tpu.vector_store %arg7[%swap3A_928, %swap3A_929], %swap3A_932 {strides = array<i32>} : memref<27x128xf32, #tpu.memory_space<vmem>>, vector<1x16xf32>,
    %swap3A_933 = arith.constant 19 : i32
    %swap3A_934 = arith.index_cast %swap3A_933 : i32 to index
    %swap3A_935 = arith.constant 48 : index
    %swap3A_936 = tpu.vector_load %arg7[%swap3A_934, %swap3A_935] {strides = array<i32>} : memref<27x128xf32, #tpu.memory_space<vmem>>, vector<1x16xf32>,
    %swap3A_937 = vector.shape_cast %swap3A_936 : vector<1x16xf32> to vector<16xf32>
    %swap3A_938 = vector.shape_cast %broadcast_in_dim3A_3 : vector<16xf32> to vector<1x16xf32>
    tpu.vector_store %arg7[%swap3A_934, %swap3A_935], %swap3A_938 {strides = array<i32>} : memref<27x128xf32, #tpu.memory_space<vmem>>, vector<1x16xf32>,
    %swap3A_939 = arith.constant 19 : i32
    %swap3A_940 = arith.index_cast %swap3A_939 : i32 to index
    %swap3A_941 = arith.constant 64 : index
    %swap3A_942 = tpu.vector_load %arg7[%swap3A_940, %swap3A_941] {strides = array<i32>} : memref<27x128xf32, #tpu.memory_space<vmem>>, vector<1x16xf32>,
    %swap3A_943 = vector.shape_cast %swap3A_942 : vector<1x16xf32> to vector<16xf32>
    %swap3A_944 = vector.shape_cast %broadcast_in_dim3A_3 : vector<16xf32> to vector<1x16xf32>
    tpu.vector_store %arg7[%swap3A_940, %swap3A_941], %swap3A_944 {strides = array<i32>} : memref<27x128xf32, #tpu.memory_space<vmem>>, vector<1x16xf32>,
    %swap3A_945 = arith.constant 19 : i32
    %swap3A_946 = arith.index_cast %swap3A_945 : i32 to index
    %swap3A_947 = arith.constant 80 : index
    %swap3A_948 = tpu.vector_load %arg7[%swap3A_946, %swap3A_947] {strides = array<i32>} : memref<27x128xf32, #tpu.memory_space<vmem>>, vector<1x16xf32>,
    %swap3A_949 = vector.shape_cast %swap3A_948 : vector<1x16xf32> to vector<16xf32>
    %swap3A_950 = vector.shape_cast %broadcast_in_dim3A_3 : vector<16xf32> to vector<1x16xf32>
    tpu.vector_store %arg7[%swap3A_946, %swap3A_947], %swap3A_950 {strides = array<i32>} : memref<27x128xf32, #tpu.memory_space<vmem>>, vector<1x16xf32>,
    %swap3A_951 = arith.constant 19 : i32
    %swap3A_952 = arith.index_cast %swap3A_951 : i32 to index
    %swap3A_953 = arith.constant 96 : index
    %swap3A_954 = tpu.vector_load %arg7[%swap3A_952, %swap3A_953] {strides = array<i32>} : memref<27x128xf32, #tpu.memory_space<vmem>>, vector<1x16xf32>,
    %swap3A_955 = vector.shape_cast %swap3A_954 : vector<1x16xf32> to vector<16xf32>
    %swap3A_956 = vector.shape_cast %broadcast_in_dim3A_3 : vector<16xf32> to vector<1x16xf32>
    tpu.vector_store %arg7[%swap3A_952, %swap3A_953], %swap3A_956 {strides = array<i32>} : memref<27x128xf32, #tpu.memory_space<vmem>>, vector<1x16xf32>,
    %swap3A_957 = arith.constant 19 : i32
    %swap3A_958 = arith.index_cast %swap3A_957 : i32 to index
    %swap3A_959 = arith.constant 112 : index
    %swap3A_960 = tpu.vector_load %arg7[%swap3A_958, %swap3A_959] {strides = array<i32>} : memref<27x128xf32, #tpu.memory_space<vmem>>, vector<1x16xf32>,
    %swap3A_961 = vector.shape_cast %swap3A_960 : vector<1x16xf32> to vector<16xf32>
    %swap3A_962 = vector.shape_cast %broadcast_in_dim3A_3 : vector<16xf32> to vector<1x16xf32>
    tpu.vector_store %arg7[%swap3A_958, %swap3A_959], %swap3A_962 {strides = array<i32>} : memref<27x128xf32, #tpu.memory_space<vmem>>, vector<1x16xf32>,
    %swap3A_963 = arith.constant 20 : i32
    %swap3A_964 = arith.index_cast %swap3A_963 : i32 to index
    %swap3A_965 = arith.constant 0 : index
    %swap3A_966 = tpu.vector_load %arg7[%swap3A_964, %swap3A_965] {strides = array<i32>} : memref<27x128xf32, #tpu.memory_space<vmem>>, vector<1x16xf32>,
    %swap3A_967 = vector.shape_cast %swap3A_966 : vector<1x16xf32> to vector<16xf32>
    %swap3A_968 = vector.shape_cast %broadcast_in_dim3A_3 : vector<16xf32> to vector<1x16xf32>
    tpu.vector_store %arg7[%swap3A_964, %swap3A_965], %swap3A_968 {strides = array<i32>} : memref<27x128xf32, #tpu.memory_space<vmem>>, vector<1x16xf32>,
    %swap3A_969 = arith.constant 20 : i32
    %swap3A_970 = arith.index_cast %swap3A_969 : i32 to index
    %swap3A_971 = arith.constant 16 : index
    %swap3A_972 = tpu.vector_load %arg7[%swap3A_970, %swap3A_971] {strides = array<i32>} : memref<27x128xf32, #tpu.memory_space<vmem>>, vector<1x16xf32>,
    %swap3A_973 = vector.shape_cast %swap3A_972 : vector<1x16xf32> to vector<16xf32>
    %swap3A_974 = vector.shape_cast %broadcast_in_dim3A_3 : vector<16xf32> to vector<1x16xf32>
    tpu.vector_store %arg7[%swap3A_970, %swap3A_971], %swap3A_974 {strides = array<i32>} : memref<27x128xf32, #tpu.memory_space<vmem>>, vector<1x16xf32>,
    %swap3A_975 = arith.constant 20 : i32
    %swap3A_976 = arith.index_cast %swap3A_975 : i32 to index
    %swap3A_977 = arith.constant 32 : index
    %swap3A_978 = tpu.vector_load %arg7[%swap3A_976, %swap3A_977] {strides = array<i32>} : memref<27x128xf32, #tpu.memory_space<vmem>>, vector<1x16xf32>,
    %swap3A_979 = vector.shape_cast %swap3A_978 : vector<1x16xf32> to vector<16xf32>
    %swap3A_980 = vector.shape_cast %broadcast_in_dim3A_3 : vector<16xf32> to vector<1x16xf32>
    tpu.vector_store %arg7[%swap3A_976, %swap3A_977], %swap3A_980 {strides = array<i32>} : memref<27x128xf32, #tpu.memory_space<vmem>>, vector<1x16xf32>,
    %swap3A_981 = arith.constant 20 : i32
    %swap3A_982 = arith.index_cast %swap3A_981 : i32 to index
    %swap3A_983 = arith.constant 48 : index
    %swap3A_984 = tpu.vector_load %arg7[%swap3A_982, %swap3A_983] {strides = array<i32>} : memref<27x128xf32, #tpu.memory_space<vmem>>, vector<1x16xf32>,
    %swap3A_985 = vector.shape_cast %swap3A_984 : vector<1x16xf32> to vector<16xf32>
    %swap3A_986 = vector.shape_cast %broadcast_in_dim3A_3 : vector<16xf32> to vector<1x16xf32>
    tpu.vector_store %arg7[%swap3A_982, %swap3A_983], %swap3A_986 {strides = array<i32>} : memref<27x128xf32, #tpu.memory_space<vmem>>, vector<1x16xf32>,
    %swap3A_987 = arith.constant 20 : i32
    %swap3A_988 = arith.index_cast %swap3A_987 : i32 to index
    %swap3A_989 = arith.constant 64 : index
    %swap3A_990 = tpu.vector_load %arg7[%swap3A_988, %swap3A_989] {strides = array<i32>} : memref<27x128xf32, #tpu.memory_space<vmem>>, vector<1x16xf32>,
    %swap3A_991 = vector.shape_cast %swap3A_990 : vector<1x16xf32> to vector<16xf32>
    %swap3A_992 = vector.shape_cast %broadcast_in_dim3A_3 : vector<16xf32> to vector<1x16xf32>
    tpu.vector_store %arg7[%swap3A_988, %swap3A_989], %swap3A_992 {strides = array<i32>} : memref<27x128xf32, #tpu.memory_space<vmem>>, vector<1x16xf32>,
    %swap3A_993 = arith.constant 20 : i32
    %swap3A_994 = arith.index_cast %swap3A_993 : i32 to index
    %swap3A_995 = arith.constant 80 : index
    %swap3A_996 = tpu.vector_load %arg7[%swap3A_994, %swap3A_995] {strides = array<i32>} : memref<27x128xf32, #tpu.memory_space<vmem>>, vector<1x16xf32>,
    %swap3A_997 = vector.shape_cast %swap3A_996 : vector<1x16xf32> to vector<16xf32>
    %swap3A_998 = vector.shape_cast %broadcast_in_dim3A_3 : vector<16xf32> to vector<1x16xf32>
    tpu.vector_store %arg7[%swap3A_994, %swap3A_995], %swap3A_998 {strides = array<i32>} : memref<27x128xf32, #tpu.memory_space<vmem>>, vector<1x16xf32>,
    %swap3A_999 = arith.constant 20 : i32
    %swap3A_1000 = arith.index_cast %swap3A_999 : i32 to index
    %swap3A_1001 = arith.constant 96 : index
    %swap3A_1002 = tpu.vector_load %arg7[%swap3A_1000, %swap3A_1001] {strides = array<i32>} : memref<27x128xf32, #tpu.memory_space<vmem>>, vector<1x16xf32>,
    %swap3A_1003 = vector.shape_cast %swap3A_1002 : vector<1x16xf32> to vector<16xf32>
    %swap3A_1004 = vector.shape_cast %broadcast_in_dim3A_3 : vector<16xf32> to vector<1x16xf32>
    tpu.vector_store %arg7[%swap3A_1000, %swap3A_1001], %swap3A_1004 {strides = array<i32>} : memref<27x128xf32, #tpu.memory_space<vmem>>, vector<1x16xf32>,
    %swap3A_1005 = arith.constant 20 : i32
    %swap3A_1006 = arith.index_cast %swap3A_1005 : i32 to index
    %swap3A_1007 = arith.constant 112 : index
    %swap3A_1008 = tpu.vector_load %arg7[%swap3A_1006, %swap3A_1007] {strides = array<i32>} : memref<27x128xf32, #tpu.memory_space<vmem>>, vector<1x16xf32>,
    %swap3A_1009 = vector.shape_cast %swap3A_1008 : vector<1x16xf32> to vector<16xf32>
    %swap3A_1010 = vector.shape_cast %broadcast_in_dim3A_3 : vector<16xf32> to vector<1x16xf32>
    tpu.vector_store %arg7[%swap3A_1006, %swap3A_1007], %swap3A_1010 {strides = array<i32>} : memref<27x128xf32, #tpu.memory_space<vmem>>, vector<1x16xf32>,
    %swap3A_1011 = arith.constant 21 : i32
    %swap3A_1012 = arith.index_cast %swap3A_1011 : i32 to index
    %swap3A_1013 = arith.constant 0 : index
    %swap3A_1014 = tpu.vector_load %arg7[%swap3A_1012, %swap3A_1013] {strides = array<i32>} : memref<27x128xf32, #tpu.memory_space<vmem>>, vector<1x16xf32>,
    %swap3A_1015 = vector.shape_cast %swap3A_1014 : vector<1x16xf32> to vector<16xf32>
    %swap3A_1016 = vector.shape_cast %broadcast_in_dim3A_3 : vector<16xf32> to vector<1x16xf32>
    tpu.vector_store %arg7[%swap3A_1012, %swap3A_1013], %swap3A_1016 {strides = array<i32>} : memref<27x128xf32, #tpu.memory_space<vmem>>, vector<1x16xf32>,
    %swap3A_1017 = arith.constant 21 : i32
    %swap3A_1018 = arith.index_cast %swap3A_1017 : i32 to index
    %swap3A_1019 = arith.constant 16 : index
    %swap3A_1020 = tpu.vector_load %arg7[%swap3A_1018, %swap3A_1019] {strides = array<i32>} : memref<27x128xf32, #tpu.memory_space<vmem>>, vector<1x16xf32>,
    %swap3A_1021 = vector.shape_cast %swap3A_1020 : vector<1x16xf32> to vector<16xf32>
    %swap3A_1022 = vector.shape_cast %broadcast_in_dim3A_3 : vector<16xf32> to vector<1x16xf32>
    tpu.vector_store %arg7[%swap3A_1018, %swap3A_1019], %swap3A_1022 {strides = array<i32>} : memref<27x128xf32, #tpu.memory_space<vmem>>, vector<1x16xf32>,
    %swap3A_1023 = arith.constant 21 : i32
    %swap3A_1024 = arith.index_cast %swap3A_1023 : i32 to index
    %swap3A_1025 = arith.constant 32 : index
    %swap3A_1026 = tpu.vector_load %arg7[%swap3A_1024, %swap3A_1025] {strides = array<i32>} : memref<27x128xf32, #tpu.memory_space<vmem>>, vector<1x16xf32>,
    %swap3A_1027 = vector.shape_cast %swap3A_1026 : vector<1x16xf32> to vector<16xf32>
    %swap3A_1028 = vector.shape_cast %broadcast_in_dim3A_3 : vector<16xf32> to vector<1x16xf32>
    tpu.vector_store %arg7[%swap3A_1024, %swap3A_1025], %swap3A_1028 {strides = array<i32>} : memref<27x128xf32, #tpu.memory_space<vmem>>, vector<1x16xf32>,
    %swap3A_1029 = arith.constant 21 : i32
    %swap3A_1030 = arith.index_cast %swap3A_1029 : i32 to index
    %swap3A_1031 = arith.constant 48 : index
    %swap3A_1032 = tpu.vector_load %arg7[%swap3A_1030, %swap3A_1031] {strides = array<i32>} : memref<27x128xf32, #tpu.memory_space<vmem>>, vector<1x16xf32>,
    %swap3A_1033 = vector.shape_cast %swap3A_1032 : vector<1x16xf32> to vector<16xf32>
    %swap3A_1034 = vector.shape_cast %broadcast_in_dim3A_3 : vector<16xf32> to vector<1x16xf32>
    tpu.vector_store %arg7[%swap3A_1030, %swap3A_1031], %swap3A_1034 {strides = array<i32>} : memref<27x128xf32, #tpu.memory_space<vmem>>, vector<1x16xf32>,
    %swap3A_1035 = arith.constant 21 : i32
    %swap3A_1036 = arith.index_cast %swap3A_1035 : i32 to index
    %swap3A_1037 = arith.constant 64 : index
    %swap3A_1038 = tpu.vector_load %arg7[%swap3A_1036, %swap3A_1037] {strides = array<i32>} : memref<27x128xf32, #tpu.memory_space<vmem>>, vector<1x16xf32>,
    %swap3A_1039 = vector.shape_cast %swap3A_1038 : vector<1x16xf32> to vector<16xf32>
    %swap3A_1040 = vector.shape_cast %broadcast_in_dim3A_3 : vector<16xf32> to vector<1x16xf32>
    tpu.vector_store %arg7[%swap3A_1036, %swap3A_1037], %swap3A_1040 {strides = array<i32>} : memref<27x128xf32, #tpu.memory_space<vmem>>, vector<1x16xf32>,
    %swap3A_1041 = arith.constant 21 : i32
    %swap3A_1042 = arith.index_cast %swap3A_1041 : i32 to index
    %swap3A_1043 = arith.constant 80 : index
    %swap3A_1044 = tpu.vector_load %arg7[%swap3A_1042, %swap3A_1043] {strides = array<i32>} : memref<27x128xf32, #tpu.memory_space<vmem>>, vector<1x16xf32>,
    %swap3A_1045 = vector.shape_cast %swap3A_1044 : vector<1x16xf32> to vector<16xf32>
    %swap3A_1046 = vector.shape_cast %broadcast_in_dim3A_3 : vector<16xf32> to vector<1x16xf32>
    tpu.vector_store %arg7[%swap3A_1042, %swap3A_1043], %swap3A_1046 {strides = array<i32>} : memref<27x128xf32, #tpu.memory_space<vmem>>, vector<1x16xf32>,
    %swap3A_1047 = arith.constant 21 : i32
    %swap3A_1048 = arith.index_cast %swap3A_1047 : i32 to index
    %swap3A_1049 = arith.constant 96 : index
    %swap3A_1050 = tpu.vector_load %arg7[%swap3A_1048, %swap3A_1049] {strides = array<i32>} : memref<27x128xf32, #tpu.memory_space<vmem>>, vector<1x16xf32>,
    %swap3A_1051 = vector.shape_cast %swap3A_1050 : vector<1x16xf32> to vector<16xf32>
    %swap3A_1052 = vector.shape_cast %broadcast_in_dim3A_3 : vector<16xf32> to vector<1x16xf32>
    tpu.vector_store %arg7[%swap3A_1048, %swap3A_1049], %swap3A_1052 {strides = array<i32>} : memref<27x128xf32, #tpu.memory_space<vmem>>, vector<1x16xf32>,
    %swap3A_1053 = arith.constant 21 : i32
    %swap3A_1054 = arith.index_cast %swap3A_1053 : i32 to index
    %swap3A_1055 = arith.constant 112 : index
    %swap3A_1056 = tpu.vector_load %arg7[%swap3A_1054, %swap3A_1055] {strides = array<i32>} : memref<27x128xf32, #tpu.memory_space<vmem>>, vector<1x16xf32>,
    %swap3A_1057 = vector.shape_cast %swap3A_1056 : vector<1x16xf32> to vector<16xf32>
    %swap3A_1058 = vector.shape_cast %broadcast_in_dim3A_3 : vector<16xf32> to vector<1x16xf32>
    tpu.vector_store %arg7[%swap3A_1054, %swap3A_1055], %swap3A_1058 {strides = array<i32>} : memref<27x128xf32, #tpu.memory_space<vmem>>, vector<1x16xf32>,
    %swap3A_1059 = arith.constant 22 : i32
    %swap3A_1060 = arith.index_cast %swap3A_1059 : i32 to index
    %swap3A_1061 = arith.constant 0 : index
    %swap3A_1062 = tpu.vector_load %arg7[%swap3A_1060, %swap3A_1061] {strides = array<i32>} : memref<27x128xf32, #tpu.memory_space<vmem>>, vector<1x16xf32>,
    %swap3A_1063 = vector.shape_cast %swap3A_1062 : vector<1x16xf32> to vector<16xf32>
    %swap3A_1064 = vector.shape_cast %broadcast_in_dim3A_3 : vector<16xf32> to vector<1x16xf32>
    tpu.vector_store %arg7[%swap3A_1060, %swap3A_1061], %swap3A_1064 {strides = array<i32>} : memref<27x128xf32, #tpu.memory_space<vmem>>, vector<1x16xf32>,
    %swap3A_1065 = arith.constant 22 : i32
    %swap3A_1066 = arith.index_cast %swap3A_1065 : i32 to index
    %swap3A_1067 = arith.constant 16 : index
    %swap3A_1068 = tpu.vector_load %arg7[%swap3A_1066, %swap3A_1067] {strides = array<i32>} : memref<27x128xf32, #tpu.memory_space<vmem>>, vector<1x16xf32>,
    %swap3A_1069 = vector.shape_cast %swap3A_1068 : vector<1x16xf32> to vector<16xf32>
    %swap3A_1070 = vector.shape_cast %broadcast_in_dim3A_3 : vector<16xf32> to vector<1x16xf32>
    tpu.vector_store %arg7[%swap3A_1066, %swap3A_1067], %swap3A_1070 {strides = array<i32>} : memref<27x128xf32, #tpu.memory_space<vmem>>, vector<1x16xf32>,
    %swap3A_1071 = arith.constant 22 : i32
    %swap3A_1072 = arith.index_cast %swap3A_1071 : i32 to index
    %swap3A_1073 = arith.constant 32 : index
    %swap3A_1074 = tpu.vector_load %arg7[%swap3A_1072, %swap3A_1073] {strides = array<i32>} : memref<27x128xf32, #tpu.memory_space<vmem>>, vector<1x16xf32>,
    %swap3A_1075 = vector.shape_cast %swap3A_1074 : vector<1x16xf32> to vector<16xf32>
    %swap3A_1076 = vector.shape_cast %broadcast_in_dim3A_3 : vector<16xf32> to vector<1x16xf32>
    tpu.vector_store %arg7[%swap3A_1072, %swap3A_1073], %swap3A_1076 {strides = array<i32>} : memref<27x128xf32, #tpu.memory_space<vmem>>, vector<1x16xf32>,
    %swap3A_1077 = arith.constant 22 : i32
    %swap3A_1078 = arith.index_cast %swap3A_1077 : i32 to index
    %swap3A_1079 = arith.constant 48 : index
    %swap3A_1080 = tpu.vector_load %arg7[%swap3A_1078, %swap3A_1079] {strides = array<i32>} : memref<27x128xf32, #tpu.memory_space<vmem>>, vector<1x16xf32>,
    %swap3A_1081 = vector.shape_cast %swap3A_1080 : vector<1x16xf32> to vector<16xf32>
    %swap3A_1082 = vector.shape_cast %broadcast_in_dim3A_3 : vector<16xf32> to vector<1x16xf32>
    tpu.vector_store %arg7[%swap3A_1078, %swap3A_1079], %swap3A_1082 {strides = array<i32>} : memref<27x128xf32, #tpu.memory_space<vmem>>, vector<1x16xf32>,
    %swap3A_1083 = arith.constant 22 : i32
    %swap3A_1084 = arith.index_cast %swap3A_1083 : i32 to index
    %swap3A_1085 = arith.constant 64 : index
    %swap3A_1086 = tpu.vector_load %arg7[%swap3A_1084, %swap3A_1085] {strides = array<i32>} : memref<27x128xf32, #tpu.memory_space<vmem>>, vector<1x16xf32>,
    %swap3A_1087 = vector.shape_cast %swap3A_1086 : vector<1x16xf32> to vector<16xf32>
    %swap3A_1088 = vector.shape_cast %broadcast_in_dim3A_3 : vector<16xf32> to vector<1x16xf32>
    tpu.vector_store %arg7[%swap3A_1084, %swap3A_1085], %swap3A_1088 {strides = array<i32>} : memref<27x128xf32, #tpu.memory_space<vmem>>, vector<1x16xf32>,
    %swap3A_1089 = arith.constant 22 : i32
    %swap3A_1090 = arith.index_cast %swap3A_1089 : i32 to index
    %swap3A_1091 = arith.constant 80 : index
    %swap3A_1092 = tpu.vector_load %arg7[%swap3A_1090, %swap3A_1091] {strides = array<i32>} : memref<27x128xf32, #tpu.memory_space<vmem>>, vector<1x16xf32>,
    %swap3A_1093 = vector.shape_cast %swap3A_1092 : vector<1x16xf32> to vector<16xf32>
    %swap3A_1094 = vector.shape_cast %broadcast_in_dim3A_3 : vector<16xf32> to vector<1x16xf32>
    tpu.vector_store %arg7[%swap3A_1090, %swap3A_1091], %swap3A_1094 {strides = array<i32>} : memref<27x128xf32, #tpu.memory_space<vmem>>, vector<1x16xf32>,
    %swap3A_1095 = arith.constant 22 : i32
    %swap3A_1096 = arith.index_cast %swap3A_1095 : i32 to index
    %swap3A_1097 = arith.constant 96 : index
    %swap3A_1098 = tpu.vector_load %arg7[%swap3A_1096, %swap3A_1097] {strides = array<i32>} : memref<27x128xf32, #tpu.memory_space<vmem>>, vector<1x16xf32>,
    %swap3A_1099 = vector.shape_cast %swap3A_1098 : vector<1x16xf32> to vector<16xf32>
    %swap3A_1100 = vector.shape_cast %broadcast_in_dim3A_3 : vector<16xf32> to vector<1x16xf32>
    tpu.vector_store %arg7[%swap3A_1096, %swap3A_1097], %swap3A_1100 {strides = array<i32>} : memref<27x128xf32, #tpu.memory_space<vmem>>, vector<1x16xf32>,
    %swap3A_1101 = arith.constant 22 : i32
    %swap3A_1102 = arith.index_cast %swap3A_1101 : i32 to index
    %swap3A_1103 = arith.constant 112 : index
    %swap3A_1104 = tpu.vector_load %arg7[%swap3A_1102, %swap3A_1103] {strides = array<i32>} : memref<27x128xf32, #tpu.memory_space<vmem>>, vector<1x16xf32>,
    %swap3A_1105 = vector.shape_cast %swap3A_1104 : vector<1x16xf32> to vector<16xf32>
    %swap3A_1106 = vector.shape_cast %broadcast_in_dim3A_3 : vector<16xf32> to vector<1x16xf32>
    tpu.vector_store %arg7[%swap3A_1102, %swap3A_1103], %swap3A_1106 {strides = array<i32>} : memref<27x128xf32, #tpu.memory_space<vmem>>, vector<1x16xf32>,
    %swap3A_1107 = arith.constant 23 : i32
    %swap3A_1108 = arith.index_cast %swap3A_1107 : i32 to index
    %swap3A_1109 = arith.constant 0 : index
    %swap3A_1110 = tpu.vector_load %arg7[%swap3A_1108, %swap3A_1109] {strides = array<i32>} : memref<27x128xf32, #tpu.memory_space<vmem>>, vector<1x16xf32>,
    %swap3A_1111 = vector.shape_cast %swap3A_1110 : vector<1x16xf32> to vector<16xf32>
    %swap3A_1112 = vector.shape_cast %broadcast_in_dim3A_3 : vector<16xf32> to vector<1x16xf32>
    tpu.vector_store %arg7[%swap3A_1108, %swap3A_1109], %swap3A_1112 {strides = array<i32>} : memref<27x128xf32, #tpu.memory_space<vmem>>, vector<1x16xf32>,
    %swap3A_1113 = arith.constant 23 : i32
    %swap3A_1114 = arith.index_cast %swap3A_1113 : i32 to index
    %swap3A_1115 = arith.constant 16 : index
    %swap3A_1116 = tpu.vector_load %arg7[%swap3A_1114, %swap3A_1115] {strides = array<i32>} : memref<27x128xf32, #tpu.memory_space<vmem>>, vector<1x16xf32>,
    %swap3A_1117 = vector.shape_cast %swap3A_1116 : vector<1x16xf32> to vector<16xf32>
    %swap3A_1118 = vector.shape_cast %broadcast_in_dim3A_3 : vector<16xf32> to vector<1x16xf32>
    tpu.vector_store %arg7[%swap3A_1114, %swap3A_1115], %swap3A_1118 {strides = array<i32>} : memref<27x128xf32, #tpu.memory_space<vmem>>, vector<1x16xf32>,
    %swap3A_1119 = arith.constant 23 : i32
    %swap3A_1120 = arith.index_cast %swap3A_1119 : i32 to index
    %swap3A_1121 = arith.constant 32 : index
    %swap3A_1122 = tpu.vector_load %arg7[%swap3A_1120, %swap3A_1121] {strides = array<i32>} : memref<27x128xf32, #tpu.memory_space<vmem>>, vector<1x16xf32>,
    %swap3A_1123 = vector.shape_cast %swap3A_1122 : vector<1x16xf32> to vector<16xf32>
    %swap3A_1124 = vector.shape_cast %broadcast_in_dim3A_3 : vector<16xf32> to vector<1x16xf32>
    tpu.vector_store %arg7[%swap3A_1120, %swap3A_1121], %swap3A_1124 {strides = array<i32>} : memref<27x128xf32, #tpu.memory_space<vmem>>, vector<1x16xf32>,
    %swap3A_1125 = arith.constant 23 : i32
    %swap3A_1126 = arith.index_cast %swap3A_1125 : i32 to index
    %swap3A_1127 = arith.constant 48 : index
    %swap3A_1128 = tpu.vector_load %arg7[%swap3A_1126, %swap3A_1127] {strides = array<i32>} : memref<27x128xf32, #tpu.memory_space<vmem>>, vector<1x16xf32>,
    %swap3A_1129 = vector.shape_cast %swap3A_1128 : vector<1x16xf32> to vector<16xf32>
    %swap3A_1130 = vector.shape_cast %broadcast_in_dim3A_3 : vector<16xf32> to vector<1x16xf32>
    tpu.vector_store %arg7[%swap3A_1126, %swap3A_1127], %swap3A_1130 {strides = array<i32>} : memref<27x128xf32, #tpu.memory_space<vmem>>, vector<1x16xf32>,
    %swap3A_1131 = arith.constant 23 : i32
    %swap3A_1132 = arith.index_cast %swap3A_1131 : i32 to index
    %swap3A_1133 = arith.constant 64 : index
    %swap3A_1134 = tpu.vector_load %arg7[%swap3A_1132, %swap3A_1133] {strides = array<i32>} : memref<27x128xf32, #tpu.memory_space<vmem>>, vector<1x16xf32>,
    %swap3A_1135 = vector.shape_cast %swap3A_1134 : vector<1x16xf32> to vector<16xf32>
    %swap3A_1136 = vector.shape_cast %broadcast_in_dim3A_3 : vector<16xf32> to vector<1x16xf32>
    tpu.vector_store %arg7[%swap3A_1132, %swap3A_1133], %swap3A_1136 {strides = array<i32>} : memref<27x128xf32, #tpu.memory_space<vmem>>, vector<1x16xf32>,
    %swap3A_1137 = arith.constant 23 : i32
    %swap3A_1138 = arith.index_cast %swap3A_1137 : i32 to index
    %swap3A_1139 = arith.constant 80 : index
    %swap3A_1140 = tpu.vector_load %arg7[%swap3A_1138, %swap3A_1139] {strides = array<i32>} : memref<27x128xf32, #tpu.memory_space<vmem>>, vector<1x16xf32>,
    %swap3A_1141 = vector.shape_cast %swap3A_1140 : vector<1x16xf32> to vector<16xf32>
    %swap3A_1142 = vector.shape_cast %broadcast_in_dim3A_3 : vector<16xf32> to vector<1x16xf32>
    tpu.vector_store %arg7[%swap3A_1138, %swap3A_1139], %swap3A_1142 {strides = array<i32>} : memref<27x128xf32, #tpu.memory_space<vmem>>, vector<1x16xf32>,
    %swap3A_1143 = arith.constant 23 : i32
    %swap3A_1144 = arith.index_cast %swap3A_1143 : i32 to index
    %swap3A_1145 = arith.constant 96 : index
    %swap3A_1146 = tpu.vector_load %arg7[%swap3A_1144, %swap3A_1145] {strides = array<i32>} : memref<27x128xf32, #tpu.memory_space<vmem>>, vector<1x16xf32>,
    %swap3A_1147 = vector.shape_cast %swap3A_1146 : vector<1x16xf32> to vector<16xf32>
    %swap3A_1148 = vector.shape_cast %broadcast_in_dim3A_3 : vector<16xf32> to vector<1x16xf32>
    tpu.vector_store %arg7[%swap3A_1144, %swap3A_1145], %swap3A_1148 {strides = array<i32>} : memref<27x128xf32, #tpu.memory_space<vmem>>, vector<1x16xf32>,
    %swap3A_1149 = arith.constant 23 : i32
    %swap3A_1150 = arith.index_cast %swap3A_1149 : i32 to index
    %swap3A_1151 = arith.constant 112 : index
    %swap3A_1152 = tpu.vector_load %arg7[%swap3A_1150, %swap3A_1151] {strides = array<i32>} : memref<27x128xf32, #tpu.memory_space<vmem>>, vector<1x16xf32>,
    %swap3A_1153 = vector.shape_cast %swap3A_1152 : vector<1x16xf32> to vector<16xf32>
    %swap3A_1154 = vector.shape_cast %broadcast_in_dim3A_3 : vector<16xf32> to vector<1x16xf32>
    tpu.vector_store %arg7[%swap3A_1150, %swap3A_1151], %swap3A_1154 {strides = array<i32>} : memref<27x128xf32, #tpu.memory_space<vmem>>, vector<1x16xf32>,
    %swap3A_1155 = arith.constant 24 : i32
    %swap3A_1156 = arith.index_cast %swap3A_1155 : i32 to index
    %swap3A_1157 = arith.constant 0 : index
    %swap3A_1158 = tpu.vector_load %arg7[%swap3A_1156, %swap3A_1157] {strides = array<i32>} : memref<27x128xf32, #tpu.memory_space<vmem>>, vector<1x16xf32>,
    %swap3A_1159 = vector.shape_cast %swap3A_1158 : vector<1x16xf32> to vector<16xf32>
    %swap3A_1160 = vector.shape_cast %broadcast_in_dim3A_3 : vector<16xf32> to vector<1x16xf32>
    tpu.vector_store %arg7[%swap3A_1156, %swap3A_1157], %swap3A_1160 {strides = array<i32>} : memref<27x128xf32, #tpu.memory_space<vmem>>, vector<1x16xf32>,
    %swap3A_1161 = arith.constant 24 : i32
    %swap3A_1162 = arith.index_cast %swap3A_1161 : i32 to index
    %swap3A_1163 = arith.constant 16 : index
    %swap3A_1164 = tpu.vector_load %arg7[%swap3A_1162, %swap3A_1163] {strides = array<i32>} : memref<27x128xf32, #tpu.memory_space<vmem>>, vector<1x16xf32>,
    %swap3A_1165 = vector.shape_cast %swap3A_1164 : vector<1x16xf32> to vector<16xf32>
    %swap3A_1166 = vector.shape_cast %broadcast_in_dim3A_3 : vector<16xf32> to vector<1x16xf32>
    tpu.vector_store %arg7[%swap3A_1162, %swap3A_1163], %swap3A_1166 {strides = array<i32>} : memref<27x128xf32, #tpu.memory_space<vmem>>, vector<1x16xf32>,
    %swap3A_1167 = arith.constant 24 : i32
    %swap3A_1168 = arith.index_cast %swap3A_1167 : i32 to index
    %swap3A_1169 = arith.constant 32 : index
    %swap3A_1170 = tpu.vector_load %arg7[%swap3A_1168, %swap3A_1169] {strides = array<i32>} : memref<27x128xf32, #tpu.memory_space<vmem>>, vector<1x16xf32>,
    %swap3A_1171 = vector.shape_cast %swap3A_1170 : vector<1x16xf32> to vector<16xf32>
    %swap3A_1172 = vector.shape_cast %broadcast_in_dim3A_3 : vector<16xf32> to vector<1x16xf32>
    tpu.vector_store %arg7[%swap3A_1168, %swap3A_1169], %swap3A_1172 {strides = array<i32>} : memref<27x128xf32, #tpu.memory_space<vmem>>, vector<1x16xf32>,
    %swap3A_1173 = arith.constant 24 : i32
    %swap3A_1174 = arith.index_cast %swap3A_1173 : i32 to index
    %swap3A_1175 = arith.constant 48 : index
    %swap3A_1176 = tpu.vector_load %arg7[%swap3A_1174, %swap3A_1175] {strides = array<i32>} : memref<27x128xf32, #tpu.memory_space<vmem>>, vector<1x16xf32>,
    %swap3A_1177 = vector.shape_cast %swap3A_1176 : vector<1x16xf32> to vector<16xf32>
    %swap3A_1178 = vector.shape_cast %broadcast_in_dim3A_3 : vector<16xf32> to vector<1x16xf32>
    tpu.vector_store %arg7[%swap3A_1174, %swap3A_1175], %swap3A_1178 {strides = array<i32>} : memref<27x128xf32, #tpu.memory_space<vmem>>, vector<1x16xf32>,
    %swap3A_1179 = arith.constant 24 : i32
    %swap3A_1180 = arith.index_cast %swap3A_1179 : i32 to index
    %swap3A_1181 = arith.constant 64 : index
    %swap3A_1182 = tpu.vector_load %arg7[%swap3A_1180, %swap3A_1181] {strides = array<i32>} : memref<27x128xf32, #tpu.memory_space<vmem>>, vector<1x16xf32>,
    %swap3A_1183 = vector.shape_cast %swap3A_1182 : vector<1x16xf32> to vector<16xf32>
    %swap3A_1184 = vector.shape_cast %broadcast_in_dim3A_3 : vector<16xf32> to vector<1x16xf32>
    tpu.vector_store %arg7[%swap3A_1180, %swap3A_1181], %swap3A_1184 {strides = array<i32>} : memref<27x128xf32, #tpu.memory_space<vmem>>, vector<1x16xf32>,
    %swap3A_1185 = arith.constant 24 : i32
    %swap3A_1186 = arith.index_cast %swap3A_1185 : i32 to index
    %swap3A_1187 = arith.constant 80 : index
    %swap3A_1188 = tpu.vector_load %arg7[%swap3A_1186, %swap3A_1187] {strides = array<i32>} : memref<27x128xf32, #tpu.memory_space<vmem>>, vector<1x16xf32>,
    %swap3A_1189 = vector.shape_cast %swap3A_1188 : vector<1x16xf32> to vector<16xf32>
    %swap3A_1190 = vector.shape_cast %broadcast_in_dim3A_3 : vector<16xf32> to vector<1x16xf32>
    tpu.vector_store %arg7[%swap3A_1186, %swap3A_1187], %swap3A_1190 {strides = array<i32>} : memref<27x128xf32, #tpu.memory_space<vmem>>, vector<1x16xf32>,
    %swap3A_1191 = arith.constant 24 : i32
    %swap3A_1192 = arith.index_cast %swap3A_1191 : i32 to index
    %swap3A_1193 = arith.constant 96 : index
    %swap3A_1194 = tpu.vector_load %arg7[%swap3A_1192, %swap3A_1193] {strides = array<i32>} : memref<27x128xf32, #tpu.memory_space<vmem>>, vector<1x16xf32>,
    %swap3A_1195 = vector.shape_cast %swap3A_1194 : vector<1x16xf32> to vector<16xf32>
    %swap3A_1196 = vector.shape_cast %broadcast_in_dim3A_3 : vector<16xf32> to vector<1x16xf32>
    tpu.vector_store %arg7[%swap3A_1192, %swap3A_1193], %swap3A_1196 {strides = array<i32>} : memref<27x128xf32, #tpu.memory_space<vmem>>, vector<1x16xf32>,
    %swap3A_1197 = arith.constant 24 : i32
    %swap3A_1198 = arith.index_cast %swap3A_1197 : i32 to index
    %swap3A_1199 = arith.constant 112 : index
    %swap3A_1200 = tpu.vector_load %arg7[%swap3A_1198, %swap3A_1199] {strides = array<i32>} : memref<27x128xf32, #tpu.memory_space<vmem>>, vector<1x16xf32>,
    %swap3A_1201 = vector.shape_cast %swap3A_1200 : vector<1x16xf32> to vector<16xf32>
    %swap3A_1202 = vector.shape_cast %broadcast_in_dim3A_3 : vector<16xf32> to vector<1x16xf32>
    tpu.vector_store %arg7[%swap3A_1198, %swap3A_1199], %swap3A_1202 {strides = array<i32>} : memref<27x128xf32, #tpu.memory_space<vmem>>, vector<1x16xf32>,
    %swap3A_1203 = arith.constant 25 : i32
    %swap3A_1204 = arith.index_cast %swap3A_1203 : i32 to index
    %swap3A_1205 = arith.constant 0 : index
    %swap3A_1206 = tpu.vector_load %arg7[%swap3A_1204, %swap3A_1205] {strides = array<i32>} : memref<27x128xf32, #tpu.memory_space<vmem>>, vector<1x16xf32>,
    %swap3A_1207 = vector.shape_cast %swap3A_1206 : vector<1x16xf32> to vector<16xf32>
    %swap3A_1208 = vector.shape_cast %broadcast_in_dim3A_3 : vector<16xf32> to vector<1x16xf32>
    tpu.vector_store %arg7[%swap3A_1204, %swap3A_1205], %swap3A_1208 {strides = array<i32>} : memref<27x128xf32, #tpu.memory_space<vmem>>, vector<1x16xf32>,
    %swap3A_1209 = arith.constant 25 : i32
    %swap3A_1210 = arith.index_cast %swap3A_1209 : i32 to index
    %swap3A_1211 = arith.constant 16 : index
    %swap3A_1212 = tpu.vector_load %arg7[%swap3A_1210, %swap3A_1211] {strides = array<i32>} : memref<27x128xf32, #tpu.memory_space<vmem>>, vector<1x16xf32>,
    %swap3A_1213 = vector.shape_cast %swap3A_1212 : vector<1x16xf32> to vector<16xf32>
    %swap3A_1214 = vector.shape_cast %broadcast_in_dim3A_3 : vector<16xf32> to vector<1x16xf32>
    tpu.vector_store %arg7[%swap3A_1210, %swap3A_1211], %swap3A_1214 {strides = array<i32>} : memref<27x128xf32, #tpu.memory_space<vmem>>, vector<1x16xf32>,
    %swap3A_1215 = arith.constant 25 : i32
    %swap3A_1216 = arith.index_cast %swap3A_1215 : i32 to index
    %swap3A_1217 = arith.constant 32 : index
    %swap3A_1218 = tpu.vector_load %arg7[%swap3A_1216, %swap3A_1217] {strides = array<i32>} : memref<27x128xf32, #tpu.memory_space<vmem>>, vector<1x16xf32>,
    %swap3A_1219 = vector.shape_cast %swap3A_1218 : vector<1x16xf32> to vector<16xf32>
    %swap3A_1220 = vector.shape_cast %broadcast_in_dim3A_3 : vector<16xf32> to vector<1x16xf32>
    tpu.vector_store %arg7[%swap3A_1216, %swap3A_1217], %swap3A_1220 {strides = array<i32>} : memref<27x128xf32, #tpu.memory_space<vmem>>, vector<1x16xf32>,
    %swap3A_1221 = arith.constant 25 : i32
    %swap3A_1222 = arith.index_cast %swap3A_1221 : i32 to index
    %swap3A_1223 = arith.constant 48 : index
    %swap3A_1224 = tpu.vector_load %arg7[%swap3A_1222, %swap3A_1223] {strides = array<i32>} : memref<27x128xf32, #tpu.memory_space<vmem>>, vector<1x16xf32>,
    %swap3A_1225 = vector.shape_cast %swap3A_1224 : vector<1x16xf32> to vector<16xf32>
    %swap3A_1226 = vector.shape_cast %broadcast_in_dim3A_3 : vector<16xf32> to vector<1x16xf32>
    tpu.vector_store %arg7[%swap3A_1222, %swap3A_1223], %swap3A_1226 {strides = array<i32>} : memref<27x128xf32, #tpu.memory_space<vmem>>, vector<1x16xf32>,
    %swap3A_1227 = arith.constant 25 : i32
    %swap3A_1228 = arith.index_cast %swap3A_1227 : i32 to index
    %swap3A_1229 = arith.constant 64 : index
    %swap3A_1230 = tpu.vector_load %arg7[%swap3A_1228, %swap3A_1229] {strides = array<i32>} : memref<27x128xf32, #tpu.memory_space<vmem>>, vector<1x16xf32>,
    %swap3A_1231 = vector.shape_cast %swap3A_1230 : vector<1x16xf32> to vector<16xf32>
    %swap3A_1232 = vector.shape_cast %broadcast_in_dim3A_3 : vector<16xf32> to vector<1x16xf32>
    tpu.vector_store %arg7[%swap3A_1228, %swap3A_1229], %swap3A_1232 {strides = array<i32>} : memref<27x128xf32, #tpu.memory_space<vmem>>, vector<1x16xf32>,
    %swap3A_1233 = arith.constant 25 : i32
    %swap3A_1234 = arith.index_cast %swap3A_1233 : i32 to index
    %swap3A_1235 = arith.constant 80 : index
    %swap3A_1236 = tpu.vector_load %arg7[%swap3A_1234, %swap3A_1235] {strides = array<i32>} : memref<27x128xf32, #tpu.memory_space<vmem>>, vector<1x16xf32>,
    %swap3A_1237 = vector.shape_cast %swap3A_1236 : vector<1x16xf32> to vector<16xf32>
    %swap3A_1238 = vector.shape_cast %broadcast_in_dim3A_3 : vector<16xf32> to vector<1x16xf32>
    tpu.vector_store %arg7[%swap3A_1234, %swap3A_1235], %swap3A_1238 {strides = array<i32>} : memref<27x128xf32, #tpu.memory_space<vmem>>, vector<1x16xf32>,
    %swap3A_1239 = arith.constant 25 : i32
    %swap3A_1240 = arith.index_cast %swap3A_1239 : i32 to index
    %swap3A_1241 = arith.constant 96 : index
    %swap3A_1242 = tpu.vector_load %arg7[%swap3A_1240, %swap3A_1241] {strides = array<i32>} : memref<27x128xf32, #tpu.memory_space<vmem>>, vector<1x16xf32>,
    %swap3A_1243 = vector.shape_cast %swap3A_1242 : vector<1x16xf32> to vector<16xf32>
    %swap3A_1244 = vector.shape_cast %broadcast_in_dim3A_3 : vector<16xf32> to vector<1x16xf32>
    tpu.vector_store %arg7[%swap3A_1240, %swap3A_1241], %swap3A_1244 {strides = array<i32>} : memref<27x128xf32, #tpu.memory_space<vmem>>, vector<1x16xf32>,
    %swap3A_1245 = arith.constant 25 : i32
    %swap3A_1246 = arith.index_cast %swap3A_1245 : i32 to index
    %swap3A_1247 = arith.constant 112 : index
    %swap3A_1248 = tpu.vector_load %arg7[%swap3A_1246, %swap3A_1247] {strides = array<i32>} : memref<27x128xf32, #tpu.memory_space<vmem>>, vector<1x16xf32>,
    %swap3A_1249 = vector.shape_cast %swap3A_1248 : vector<1x16xf32> to vector<16xf32>
    %swap3A_1250 = vector.shape_cast %broadcast_in_dim3A_3 : vector<16xf32> to vector<1x16xf32>
    tpu.vector_store %arg7[%swap3A_1246, %swap3A_1247], %swap3A_1250 {strides = array<i32>} : memref<27x128xf32, #tpu.memory_space<vmem>>, vector<1x16xf32>,
    %swap3A_1251 = arith.constant 26 : i32
    %swap3A_1252 = arith.index_cast %swap3A_1251 : i32 to index
    %swap3A_1253 = arith.constant 0 : index
    %swap3A_1254 = tpu.vector_load %arg7[%swap3A_1252, %swap3A_1253] {strides = array<i32>} : memref<27x128xf32, #tpu.memory_space<vmem>>, vector<1x16xf32>,
    %swap3A_1255 = vector.shape_cast %swap3A_1254 : vector<1x16xf32> to vector<16xf32>
    %swap3A_1256 = vector.shape_cast %broadcast_in_dim3A_3 : vector<16xf32> to vector<1x16xf32>
    tpu.vector_store %arg7[%swap3A_1252, %swap3A_1253], %swap3A_1256 {strides = array<i32>} : memref<27x128xf32, #tpu.memory_space<vmem>>, vector<1x16xf32>,
    %swap3A_1257 = arith.constant 26 : i32
    %swap3A_1258 = arith.index_cast %swap3A_1257 : i32 to index
    %swap3A_1259 = arith.constant 16 : index
    %swap3A_1260 = tpu.vector_load %arg7[%swap3A_1258, %swap3A_1259] {strides = array<i32>} : memref<27x128xf32, #tpu.memory_space<vmem>>, vector<1x16xf32>,
    %swap3A_1261 = vector.shape_cast %swap3A_1260 : vector<1x16xf32> to vector<16xf32>
    %swap3A_1262 = vector.shape_cast %broadcast_in_dim3A_3 : vector<16xf32> to vector<1x16xf32>
    tpu.vector_store %arg7[%swap3A_1258, %swap3A_1259], %swap3A_1262 {strides = array<i32>} : memref<27x128xf32, #tpu.memory_space<vmem>>, vector<1x16xf32>,
    %swap3A_1263 = arith.constant 26 : i32
    %swap3A_1264 = arith.index_cast %swap3A_1263 : i32 to index
    %swap3A_1265 = arith.constant 32 : index
    %swap3A_1266 = tpu.vector_load %arg7[%swap3A_1264, %swap3A_1265] {strides = array<i32>} : memref<27x128xf32, #tpu.memory_space<vmem>>, vector<1x16xf32>,
    %swap3A_1267 = vector.shape_cast %swap3A_1266 : vector<1x16xf32> to vector<16xf32>
    %swap3A_1268 = vector.shape_cast %broadcast_in_dim3A_3 : vector<16xf32> to vector<1x16xf32>
    tpu.vector_store %arg7[%swap3A_1264, %swap3A_1265], %swap3A_1268 {strides = array<i32>} : memref<27x128xf32, #tpu.memory_space<vmem>>, vector<1x16xf32>,
    %swap3A_1269 = arith.constant 26 : i32
    %swap3A_1270 = arith.index_cast %swap3A_1269 : i32 to index
    %swap3A_1271 = arith.constant 48 : index
    %swap3A_1272 = tpu.vector_load %arg7[%swap3A_1270, %swap3A_1271] {strides = array<i32>} : memref<27x128xf32, #tpu.memory_space<vmem>>, vector<1x16xf32>,
    %swap3A_1273 = vector.shape_cast %swap3A_1272 : vector<1x16xf32> to vector<16xf32>
    %swap3A_1274 = vector.shape_cast %broadcast_in_dim3A_3 : vector<16xf32> to vector<1x16xf32>
    tpu.vector_store %arg7[%swap3A_1270, %swap3A_1271], %swap3A_1274 {strides = array<i32>} : memref<27x128xf32, #tpu.memory_space<vmem>>, vector<1x16xf32>,
    %swap3A_1275 = arith.constant 26 : i32
    %swap3A_1276 = arith.index_cast %swap3A_1275 : i32 to index
    %swap3A_1277 = arith.constant 64 : index
    %swap3A_1278 = tpu.vector_load %arg7[%swap3A_1276, %swap3A_1277] {strides = array<i32>} : memref<27x128xf32, #tpu.memory_space<vmem>>, vector<1x16xf32>,
    %swap3A_1279 = vector.shape_cast %swap3A_1278 : vector<1x16xf32> to vector<16xf32>
    %swap3A_1280 = vector.shape_cast %broadcast_in_dim3A_3 : vector<16xf32> to vector<1x16xf32>
    tpu.vector_store %arg7[%swap3A_1276, %swap3A_1277], %swap3A_1280 {strides = array<i32>} : memref<27x128xf32, #tpu.memory_space<vmem>>, vector<1x16xf32>,
    %swap3A_1281 = arith.constant 26 : i32
    %swap3A_1282 = arith.index_cast %swap3A_1281 : i32 to index
    %swap3A_1283 = arith.constant 80 : index
    %swap3A_1284 = tpu.vector_load %arg7[%swap3A_1282, %swap3A_1283] {strides = array<i32>} : memref<27x128xf32, #tpu.memory_space<vmem>>, vector<1x16xf32>,
    %swap3A_1285 = vector.shape_cast %swap3A_1284 : vector<1x16xf32> to vector<16xf32>
    %swap3A_1286 = vector.shape_cast %broadcast_in_dim3A_3 : vector<16xf32> to vector<1x16xf32>
    tpu.vector_store %arg7[%swap3A_1282, %swap3A_1283], %swap3A_1286 {strides = array<i32>} : memref<27x128xf32, #tpu.memory_space<vmem>>, vector<1x16xf32>,
    %swap3A_1287 = arith.constant 26 : i32
    %swap3A_1288 = arith.index_cast %swap3A_1287 : i32 to index
    %swap3A_1289 = arith.constant 96 : index
    %swap3A_1290 = tpu.vector_load %arg7[%swap3A_1288, %swap3A_1289] {strides = array<i32>} : memref<27x128xf32, #tpu.memory_space<vmem>>, vector<1x16xf32>,
    %swap3A_1291 = vector.shape_cast %swap3A_1290 : vector<1x16xf32> to vector<16xf32>
    %swap3A_1292 = vector.shape_cast %broadcast_in_dim3A_3 : vector<16xf32> to vector<1x16xf32>
    tpu.vector_store %arg7[%swap3A_1288, %swap3A_1289], %swap3A_1292 {strides = array<i32>} : memref<27x128xf32, #tpu.memory_space<vmem>>, vector<1x16xf32>,
    %swap3A_1293 = arith.constant 26 : i32
    %swap3A_1294 = arith.index_cast %swap3A_1293 : i32 to index
    %swap3A_1295 = arith.constant 112 : index
    %swap3A_1296 = tpu.vector_load %arg7[%swap3A_1294, %swap3A_1295] {strides = array<i32>} : memref<27x128xf32, #tpu.memory_space<vmem>>, vector<1x16xf32>,
    %swap3A_1297 = vector.shape_cast %swap3A_1296 : vector<1x16xf32> to vector<16xf32>
    %swap3A_1298 = vector.shape_cast %broadcast_in_dim3A_3 : vector<16xf32> to vector<1x16xf32>
    tpu.vector_store %arg7[%swap3A_1294, %swap3A_1295], %swap3A_1298 {strides = array<i32>} : memref<27x128xf32, #tpu.memory_space<vmem>>, vector<1x16xf32>,
    %mul3A_1299 = arith.constant 27 : i32
    %mul3A_1300 = arith.muli %arg1, %mul3A_1299 : i32
    "tpu.region"() ({
      %run_scoped3A = tpu.sem_alloc : memref<!tpu.dma_semaphore, #tpu.memory_space<semaphore_mem>>
      %dma_start3A = arith.constant 0 : i32
      %dma_start3A_1311 = tpu.memref_slice %arg9[%mul3A_1300, %dma_start3A] : memref<432x128xf32, #tpu.memory_space<vmem_shared>> -> memref<27x128xf32, #tpu.memory_space<vmem_shared>>
      %dma_start3A_1312 = arith.constant 0 : i32
      %dma_start3A_1313 = tpu.memref_slice %arg9[%mul3A_1300, %dma_start3A_1312] : memref<432x128xf32, #tpu.memory_space<vmem_shared>> -> memref<27x128xf32, #tpu.memory_space<vmem_shared>>
      tpu.enqueue_dma source(%arg7 : memref<27x128xf32, #tpu.memory_space<vmem>>) target(%dma_start3A_1313 : memref<27x128xf32, #tpu.memory_space<vmem_shared>>) target_semaphore(%run_scoped3A : memref<!tpu.dma_semaphore, #tpu.memory_space<semaphore_mem>>)
      %dma_wait3A = arith.constant 0 : i32
      %dma_wait3A_1314 = tpu.memref_slice %arg9[%mul3A_1300, %dma_wait3A] : memref<432x128xf32, #tpu.memory_space<vmem_shared>> -> memref<27x128xf32, #tpu.memory_space<vmem_shared>>
      %dma_wait3A_1315 = arith.constant 0 : i32
      %dma_wait3A_1316 = tpu.memref_slice %arg9[%mul3A_1300, %dma_wait3A_1315] : memref<432x128xf32, #tpu.memory_space<vmem_shared>> -> memref<27x128xf32, #tpu.memory_space<vmem_shared>>
      tpu.wait_dma2 semaphore(%run_scoped3A : memref<!tpu.dma_semaphore, #tpu.memory_space<semaphore_mem>>) src(%arg7 : memref<27x128xf32, #tpu.memory_space<vmem>>) dst(%dma_wait3A_1316 : memref<27x128xf32, #tpu.memory_space<vmem_shared>>)
      tpu.yield
    }) : () -> ()
    %barrier3A = arith.constant 0 : index
    tpu.barrier barrier_id(%barrier3A)
    %lt3A_1301 = arith.constant 24 : i32
    %lt3A_1302 = arith.cmpi slt, %add3A, %lt3A_1301 : i32
    %convert_element_type3A_1303 = arith.extui %lt3A_1302 : i1 to i32
    %cond3A_1304 = arith.constant 0 : i32
    %cond3A_1305 = arith.cmpi ne, %convert_element_type3A_1303, %cond3A_1304 : i32
    scf.if %cond3A_1305 {
      %dma_wait3A = arith.constant 0 : i32
      %dma_wait3A_1311 = tpu.memref_slice %arg5[%dma_wait3A] : memref<72xi32, #tpu.memory_space<vmem>> -> memref<24xi32, #tpu.memory_space<vmem>>
      %dma_wait3A_1312 = arith.constant 0 : i32
      %dma_wait3A_1313 = tpu.memref_slice %arg3[%dma_wait3A_1312] : memref<1728xi32, #tpu.memory_space<hbm>> -> memref<24xi32, #tpu.memory_space<hbm>>
      %dma_wait3A_1314 = arith.constant 0 : i32
      %dma_wait3A_1315 = tpu.memref_slice %arg5[%dma_wait3A_1314] : memref<72xi32, #tpu.memory_space<vmem>> -> memref<24xi32, #tpu.memory_space<vmem>>
      %dma_wait3A_1316 = arith.constant 0 : i32
      %dma_wait3A_1317 = tpu.memref_slice %arg3[%dma_wait3A_1316] : memref<1728xi32, #tpu.memory_space<hbm>> -> memref<24xi32, #tpu.memory_space<hbm>>
      tpu.wait_dma2 semaphore(%arg8 : memref<!tpu.dma_semaphore, #tpu.memory_space<semaphore_mem>>) src(%dma_wait3A_1317 : memref<24xi32, #tpu.memory_space<hbm>>) dst(%dma_wait3A_1315 : memref<24xi32, #tpu.memory_space<vmem>>)
      %dma_wait3A_1318 = arith.constant 0 : i32
      %dma_wait3A_1319 = arith.constant 0 : i32
      %dma_wait3A_1320 = tpu.memref_slice %arg6[%dma_wait3A_1318, %dma_wait3A_1319] : memref<72x128xf32, #tpu.memory_space<vmem>> -> memref<24x128xf32, #tpu.memory_space<vmem>>
      %dma_wait3A_1321 = arith.constant 0 : i32
      %dma_wait3A_1322 = arith.constant 0 : i32
      %dma_wait3A_1323 = tpu.memref_slice %arg2[%dma_wait3A_1321, %dma_wait3A_1322] : memref<1728x128xf32, #tpu.memory_space<hbm>> -> memref<24x128xf32, #tpu.memory_space<hbm>>
      %dma_wait3A_1324 = arith.constant 0 : i32
      %dma_wait3A_1325 = arith.constant 0 : i32
      %dma_wait3A_1326 = tpu.memref_slice %arg6[%dma_wait3A_1324, %dma_wait3A_1325] : memref<72x128xf32, #tpu.memory_space<vmem>> -> memref<24x128xf32, #tpu.memory_space<vmem>>
      %dma_wait3A_1327 = arith.constant 0 : i32
      %dma_wait3A_1328 = arith.constant 0 : i32
      %dma_wait3A_1329 = tpu.memref_slice %arg2[%dma_wait3A_1327, %dma_wait3A_1328] : memref<1728x128xf32, #tpu.memory_space<hbm>> -> memref<24x128xf32, #tpu.memory_space<hbm>>
      tpu.wait_dma2 semaphore(%arg8 : memref<!tpu.dma_semaphore, #tpu.memory_space<semaphore_mem>>) src(%dma_wait3A_1329 : memref<24x128xf32, #tpu.memory_space<hbm>>) dst(%dma_wait3A_1326 : memref<24x128xf32, #tpu.memory_space<vmem>>)
      %dma_wait3A_1330 = arith.constant 0 : i32
      %dma_wait3A_1331 = tpu.memref_slice %arg5[%dma_wait3A_1330] : memref<72xi32, #tpu.memory_space<vmem>> -> memref<48xi32, #tpu.memory_space<vmem>>
      %dma_wait3A_1332 = arith.constant 0 : i32
      %dma_wait3A_1333 = tpu.memref_slice %arg3[%dma_wait3A_1332] : memref<1728xi32, #tpu.memory_space<hbm>> -> memref<48xi32, #tpu.memory_space<hbm>>
      %dma_wait3A_1334 = arith.constant 0 : i32
      %dma_wait3A_1335 = tpu.memref_slice %arg5[%dma_wait3A_1334] : memref<72xi32, #tpu.memory_space<vmem>> -> memref<48xi32, #tpu.memory_space<vmem>>
      %dma_wait3A_1336 = arith.constant 0 : i32
      %dma_wait3A_1337 = tpu.memref_slice %arg3[%dma_wait3A_1336] : memref<1728xi32, #tpu.memory_space<hbm>> -> memref<48xi32, #tpu.memory_space<hbm>>
      tpu.wait_dma2 semaphore(%arg8 : memref<!tpu.dma_semaphore, #tpu.memory_space<semaphore_mem>>) src(%dma_wait3A_1337 : memref<48xi32, #tpu.memory_space<hbm>>) dst(%dma_wait3A_1335 : memref<48xi32, #tpu.memory_space<vmem>>)
      %dma_wait3A_1338 = arith.constant 0 : i32
      %dma_wait3A_1339 = arith.constant 0 : i32
      %dma_wait3A_1340 = tpu.memref_slice %arg6[%dma_wait3A_1338, %dma_wait3A_1339] : memref<72x128xf32, #tpu.memory_space<vmem>> -> memref<48x128xf32, #tpu.memory_space<vmem>>
      %dma_wait3A_1341 = arith.constant 0 : i32
      %dma_wait3A_1342 = arith.constant 0 : i32
      %dma_wait3A_1343 = tpu.memref_slice %arg2[%dma_wait3A_1341, %dma_wait3A_1342] : memref<1728x128xf32, #tpu.memory_space<hbm>> -> memref<48x128xf32, #tpu.memory_space<hbm>>
      %dma_wait3A_1344 = arith.constant 0 : i32
      %dma_wait3A_1345 = arith.constant 0 : i32
      %dma_wait3A_1346 = tpu.memref_slice %arg6[%dma_wait3A_1344, %dma_wait3A_1345] : memref<72x128xf32, #tpu.memory_space<vmem>> -> memref<48x128xf32, #tpu.memory_space<vmem>>
      %dma_wait3A_1347 = arith.constant 0 : i32
      %dma_wait3A_1348 = arith.constant 0 : i32
      %dma_wait3A_1349 = tpu.memref_slice %arg2[%dma_wait3A_1347, %dma_wait3A_1348] : memref<1728x128xf32, #tpu.memory_space<hbm>> -> memref<48x128xf32, #tpu.memory_space<hbm>>
      tpu.wait_dma2 semaphore(%arg8 : memref<!tpu.dma_semaphore, #tpu.memory_space<semaphore_mem>>) src(%dma_wait3A_1349 : memref<48x128xf32, #tpu.memory_space<hbm>>) dst(%dma_wait3A_1346 : memref<48x128xf32, #tpu.memory_space<vmem>>)
      "tpu.region"() ({
        %run_scoped3A = tpu.sem_alloc : memref<!tpu.dma_semaphore, #tpu.memory_space<semaphore_mem>>
        %dma_start3A = arith.constant 0 : i32
        %dma_start3A_1350 = arith.constant 0 : i32
        %dma_start3A_1351 = tpu.memref_slice %arg9[%dma_start3A, %dma_start3A_1350] : memref<432x128xf32, #tpu.memory_space<vmem_shared>> -> memref<432x128xf32, #tpu.memory_space<vmem_shared>>
        tpu.enqueue_indirect_dma source(%arg6 : memref<72x128xf32, #tpu.memory_space<vmem>>) target(%dma_start3A_1351 : memref<432x128xf32, #tpu.memory_space<vmem_shared>>) offsets(%arg5 : memref<72xi32, #tpu.memory_space<vmem>>) semaphore(%run_scoped3A : memref<!tpu.dma_semaphore, #tpu.memory_space<semaphore_mem>>) {add = true}
        %dma_wait3A_1352 = arith.constant 0 : i32
        %dma_wait3A_1353 = arith.constant 0 : i32
        %dma_wait3A_1354 = tpu.memref_slice %arg9[%dma_wait3A_1352, %dma_wait3A_1353] : memref<432x128xf32, #tpu.memory_space<vmem_shared>> -> memref<432x128xf32, #tpu.memory_space<vmem_shared>>
        tpu.wait_indirect_dma semaphore(%run_scoped3A : memref<!tpu.dma_semaphore, #tpu.memory_space<semaphore_mem>>) src(%arg6 : memref<72x128xf32, #tpu.memory_space<vmem>>) dst(%dma_wait3A_1354 : memref<432x128xf32, #tpu.memory_space<vmem_shared>>)
        tpu.yield
      }) : () -> ()
    } else {
    }
    %barrier3A_1306 = arith.constant 0 : index
    tpu.barrier barrier_id(%barrier3A_1306)
    %mul3A_1307 = arith.constant 27 : i32
    %mul3A_1308 = arith.muli %arg1, %mul3A_1307 : i32
    %mul3A_1309 = arith.constant 27 : i32
    %mul3A_1310 = arith.muli %arg1, %mul3A_1309 : i32
    "tpu.region"() ({
      %run_scoped3A = tpu.sem_alloc : memref<!tpu.dma_semaphore, #tpu.memory_space<semaphore_mem>>
      %dma_start3A = arith.constant 0 : i32
      %dma_start3A_1311 = tpu.memref_slice %arg4[%arg0, %mul3A_1310, %dma_start3A] : memref<2x432x128xf32, #tpu.memory_space<hbm>> -> memref<1x27x128xf32, #tpu.memory_space<hbm>>
      %dma_start3A_1312 = tpu.memref_squeeze %dma_start3A_1311 : memref<1x27x128xf32, #tpu.memory_space<hbm>> -> memref<27x128xf32, #tpu.memory_space<hbm>>
      %dma_start3A_1313 = arith.constant 0 : i32
      %dma_start3A_1314 = tpu.memref_slice %arg9[%mul3A_1308, %dma_start3A_1313] : memref<432x128xf32, #tpu.memory_space<vmem_shared>> -> memref<27x128xf32, #tpu.memory_space<vmem_shared>>
      tpu.enqueue_dma source(%dma_start3A_1314 : memref<27x128xf32, #tpu.memory_space<vmem_shared>>) target(%dma_start3A_1312 : memref<27x128xf32, #tpu.memory_space<hbm>>) target_semaphore(%run_scoped3A : memref<!tpu.dma_semaphore, #tpu.memory_space<semaphore_mem>>)
      %dma_wait3A = arith.constant 0 : i32
      %dma_wait3A_1315 = tpu.memref_slice %arg4[%arg0, %mul3A_1310, %dma_wait3A] : memref<2x432x128xf32, #tpu.memory_space<hbm>> -> memref<1x27x128xf32, #tpu.memory_space<hbm>>
      %dma_wait3A_1316 = tpu.memref_squeeze %dma_wait3A_1315 : memref<1x27x128xf32, #tpu.memory_space<hbm>> -> memref<27x128xf32, #tpu.memory_space<hbm>>
      %dma_wait3A_1317 = arith.constant 0 : i32
      %dma_wait3A_1318 = tpu.memref_slice %arg9[%mul3A_1308, %dma_wait3A_1317] : memref<432x128xf32, #tpu.memory_space<vmem_shared>> -> memref<27x128xf32, #tpu.memory_space<vmem_shared>>
      tpu.wait_dma2 semaphore(%run_scoped3A : memref<!tpu.dma_semaphore, #tpu.memory_space<semaphore_mem>>) src(%dma_wait3A_1318 : memref<27x128xf32, #tpu.memory_space<vmem_shared>>) dst(%dma_wait3A_1316 : memref<27x128xf32, #tpu.memory_space<hbm>>)
      tpu.yield
    }) : () -> ()
    return
  }
}

module attributes {stable_mosaic.version = 14 : i64} {
  func.func @_prep_body(%arg0: memref<2x576x128xf32, #tpu.memory_space<vmem>>, %arg1: memref<1x2xf32, #tpu.memory_space<vmem>>, %arg2: memref<1728x128xf32, #tpu.memory_space<vmem>>, %arg3: memref<1728xi32, #tpu.memory_space<vmem>>, %arg4: memref<2x1xf32, #tpu.memory_space<vmem>>) attributes {dimension_semantics = [], scalar_prefetch = 0 : i64, scratch_operands = 0 : i64, tpu.core_type = #tpu.core_type<tc>} {
    %get3A = arith.constant 0 : index
    %get3A_0 = arith.constant 0 : index
    %get3A_1 = arith.constant 0 : index
    %get3A_2 = vector.load %arg0[%get3A, %get3A_0, %get3A_1] : memref<2x576x128xf32, #tpu.memory_space<vmem>>, vector<2x576x128xf32>
    %mul3A = arith.mulf %get3A_2, %get3A_2 : vector<2x576x128xf32>
    %reduce_sum3A = arith.constant dense<0.000000e+00> : vector<2x576xf32>
    %reduce_sum3A_3 = vector.multi_reduction <add>, %mul3A, %reduce_sum3A [2] : vector<2x576x128xf32> to vector<2x576xf32>
    %sqrt3A = math.sqrt %reduce_sum3A_3 : vector<2x576xf32>
    %reduce_max3A = arith.constant dense<0xFF800000> : vector<2xf32>
    %reduce_max3A_4 = vector.multi_reduction <maximumf>, %sqrt3A, %reduce_max3A [1] : vector<2x576xf32> to vector<2xf32>
    %broadcast_in_dim3A = vector.shape_cast %reduce_max3A_4 : vector<2xf32> to vector<2x1xf32>
    %max3A = arith.constant 0.000000e+00 : f32
    %max3A_5 = vector.broadcast %max3A : f32 to vector<2x1xf32>
    %max3A_6 = arith.maximumf %broadcast_in_dim3A, %max3A_5 : vector<2x1xf32>
    %sub3A = vector.broadcast %max3A_6 : vector<2x1xf32> to vector<2x576xf32>
    %sub3A_7 = arith.subf %sqrt3A, %sub3A : vector<2x576xf32>
    %exp3A = math.exp %sub3A_7 : vector<2x576xf32>
    %iota3A = tpu.iota {dimensions = array<i32: 1>} : vector<1x576xi32>
    %jit3A = arith.constant 24 : i32
    %div3A = vector.broadcast %jit3A : i32 to vector<1x576xi32>
    %div3A_8 = arith.divsi %iota3A, %div3A : vector<1x576xi32>
    %sign3A = arith.constant 0 : i32
    %sign3A_9 = vector.broadcast %sign3A : i32 to vector<1x576xi32>
    %sign3A_10 = arith.cmpi sgt, %iota3A, %sign3A_9 : vector<1x576xi32>
    %sign3A_11 = arith.extui %sign3A_10 : vector<1x576xi1> to vector<1x576xi32>
    %sign3A_12 = arith.constant 0 : i32
    %sign3A_13 = vector.broadcast %sign3A_12 : i32 to vector<1x576xi32>
    %sign3A_14 = arith.cmpi slt, %iota3A, %sign3A_13 : vector<1x576xi32>
    %sign3A_15 = arith.extui %sign3A_14 : vector<1x576xi1> to vector<1x576xi32>
    %sign3A_16 = arith.subi %sign3A_11, %sign3A_15 : vector<1x576xi32>
    %sign3A_17 = arith.constant 0 : i32
    %sign3A_18 = arith.cmpi sgt, %jit3A, %sign3A_17 : i32
    %sign3A_19 = arith.extui %sign3A_18 : i1 to i32
    %sign3A_20 = arith.constant 0 : i32
    %sign3A_21 = arith.cmpi slt, %jit3A, %sign3A_20 : i32
    %sign3A_22 = arith.extui %sign3A_21 : i1 to i32
    %sign3A_23 = arith.subi %sign3A_19, %sign3A_22 : i32
    %ne3A = vector.broadcast %sign3A_23 : i32 to vector<1x576xi32>
    %ne3A_24 = arith.cmpi ne, %sign3A_16, %ne3A : vector<1x576xi32>
    %rem3A = vector.broadcast %jit3A : i32 to vector<1x576xi32>
    %rem3A_25 = arith.remsi %iota3A, %rem3A : vector<1x576xi32>
    %ne3A_26 = arith.constant 0 : i32
    %ne3A_27 = vector.broadcast %ne3A_26 : i32 to vector<1x576xi32>
    %ne3A_28 = arith.cmpi ne, %rem3A_25, %ne3A_27 : vector<1x576xi32>
    %and3A = arith.andi %ne3A_24, %ne3A_28 : vector<1x576xi1>
    %sub3A_29 = arith.constant 1 : i32
    %sub3A_30 = vector.broadcast %sub3A_29 : i32 to vector<1x576xi32>
    %sub3A_31 = arith.subi %div3A_8, %sub3A_30 : vector<1x576xi32>
    %select_n3A = arith.select %and3A, %sub3A_31, %div3A_8 : vector<1x576xi1>, vector<1x576xi32>
    %mul3A_32 = arith.constant 24 : i32
    %mul3A_33 = vector.broadcast %mul3A_32 : i32 to vector<1x576xi32>
    %mul3A_34 = arith.muli %select_n3A, %mul3A_33 : vector<1x576xi32>
    %sub3A_35 = arith.subi %iota3A, %mul3A_34 : vector<1x576xi32>
    %convert_element_type3A = arith.sitofp %select_n3A : vector<1x576xi32> to vector<1x576xf32>
    %div3A_36 = arith.constant 1.200000e+01 : f32
    %div3A_37 = vector.broadcast %div3A_36 : f32 to vector<1x576xf32>
    %div3A_38 = arith.divf %convert_element_type3A, %div3A_37 : vector<1x576xf32>
    %sub3A_39 = arith.constant 1.000000e+00 : f32
    %sub3A_40 = vector.broadcast %sub3A_39 : f32 to vector<1x576xf32>
    %sub3A_41 = arith.subf %div3A_38, %sub3A_40 : vector<1x576xf32>
    %convert_element_type3A_42 = arith.sitofp %sub3A_35 : vector<1x576xi32> to vector<1x576xf32>
    %div3A_43 = arith.constant 1.200000e+01 : f32
    %div3A_44 = vector.broadcast %div3A_43 : f32 to vector<1x576xf32>
    %div3A_45 = arith.divf %convert_element_type3A_42, %div3A_44 : vector<1x576xf32>
    %sub3A_46 = arith.constant 1.000000e+00 : f32
    %sub3A_47 = vector.broadcast %sub3A_46 : f32 to vector<1x576xf32>
    %sub3A_48 = arith.subf %div3A_45, %sub3A_47 : vector<1x576xf32>
    %mul3A_49 = arith.mulf %sub3A_41, %sub3A_41 : vector<1x576xf32>
    %mul3A_50 = arith.mulf %sub3A_48, %sub3A_48 : vector<1x576xf32>
    %add3A = arith.addf %mul3A_49, %mul3A_50 : vector<1x576xf32>
    %sqrt3A_51 = math.sqrt %add3A : vector<1x576xf32>
    %lt3A = arith.constant 9.99999993E-9 : f32
    %lt3A_52 = vector.broadcast %lt3A : f32 to vector<1x576xf32>
    %lt3A_53 = arith.cmpf olt, %sqrt3A_51, %lt3A_52 : vector<1x576xf32>
    %jit3A_54 = arith.constant 1.000000e+00 : f32
    %broadcast_in_dim3A_55 = vector.broadcast %jit3A_54 : f32 to vector<1x576xf32>
    %select_n3A_56 = arith.select %lt3A_53, %broadcast_in_dim3A_55, %sqrt3A_51 : vector<1x576xi1>, vector<1x576xf32>
    %div3A_57 = arith.divf %sub3A_41, %select_n3A_56 : vector<1x576xf32>
    %div3A_58 = arith.divf %sub3A_48, %select_n3A_56 : vector<1x576xf32>
    %concatenate3A = tpu.concatenate %div3A_57, %div3A_58 in 0 : vector<1x576xf32>, vector<1x576xf32> -> vector<2x576xf32>
    %tanh3A = math.tanh %sqrt3A : vector<2x576xf32>
    %sub3A_59 = arith.constant 1.000000e+00 : f32
    %sub3A_60 = vector.broadcast %sub3A_59 : f32 to vector<2x576xf32>
    %sub3A_61 = arith.subf %sub3A_60, %tanh3A : vector<2x576xf32>
    %mul3A_62 = arith.mulf %concatenate3A, %sub3A_61 : vector<2x576xf32>
    %get3A_63 = arith.constant 0 : index
    %get3A_64 = arith.constant 0 : index
    %get3A_65 = vector.load %arg1[%get3A_63, %get3A_64] : memref<1x2xf32, #tpu.memory_space<vmem>>, vector<1x2xf32>
    %reshape3A = vector.shape_cast %get3A_65 : vector<1x2xf32> to vector<2x1xf32>
    %add3A_66 = arith.constant 1.000000e+00 : f32
    %add3A_67 = vector.broadcast %add3A_66 : f32 to vector<2x576xf32>
    %add3A_68 = arith.addf %mul3A_62, %add3A_67 : vector<2x576xf32>
    %div3A_69 = vector.broadcast %reshape3A : vector<2x1xf32> to vector<2x576xf32>
    %div3A_70 = arith.divf %add3A_68, %div3A_69 : vector<2x576xf32>
    %round3A = math.roundeven %div3A_70 : vector<2x576xf32>
    %convert_element_type3A_71 = arith.fptosi %round3A : vector<2x576xf32> to vector<2x576xi32>
    %slice3A = vector.extract_strided_slice %convert_element_type3A_71 {offsets = [0, 0], sizes = [1, 576], strides = [1, 1]} : vector<2x576xi32> to vector<1x576xi32>
    %mul3A_72 = arith.constant 12 : i32
    %mul3A_73 = vector.broadcast %mul3A_72 : i32 to vector<1x576xi32>
    %mul3A_74 = arith.muli %slice3A, %mul3A_73 : vector<1x576xi32>
    %slice3A_75 = vector.extract_strided_slice %convert_element_type3A_71 {offsets = [1, 0], sizes = [1, 576], strides = [1, 1]} : vector<2x576xi32> to vector<1x576xi32>
    %add3A_76 = arith.addi %mul3A_74, %slice3A_75 : vector<1x576xi32>
    %add3A_77 = arith.constant 144 : i32
    %add3A_78 = vector.broadcast %add3A_77 : i32 to vector<1x576xi32>
    %add3A_79 = arith.addi %add3A_76, %add3A_78 : vector<1x576xi32>
    %add3A_80 = arith.constant 288 : i32
    %add3A_81 = vector.broadcast %add3A_80 : i32 to vector<1x576xi32>
    %add3A_82 = arith.addi %add3A_76, %add3A_81 : vector<1x576xi32>
    %concatenate3A_83 = tpu.concatenate %add3A_76, %add3A_79, %add3A_82 in 1 : vector<1x576xi32>, vector<1x576xi32>, vector<1x576xi32> -> vector<1x1728xi32>
    %reshape3A_84 = vector.shape_cast %concatenate3A_83 : vector<1x1728xi32> to vector<1728xi32>
    %swap3A = arith.constant 0 : index
    %swap3A_85 = vector.load %arg3[%swap3A] : memref<1728xi32, #tpu.memory_space<vmem>>, vector<1728xi32>
    tpu.vector_store %arg3[%swap3A], %reshape3A_84 {strides = array<i32>} : memref<1728xi32, #tpu.memory_space<vmem>>, vector<1728xi32>,
    %slice3A_86 = vector.extract_strided_slice %exp3A {offsets = [0, 0], sizes = [1, 576], strides = [1, 1]} : vector<2x576xf32> to vector<1x576xf32>
    %transpose3A = tpu.transpose %slice3A_86, [1, 0] : vector<1x576xf32> -> vector<576x1xf32>
    %slice3A_87 = vector.extract_strided_slice %exp3A {offsets = [1, 0], sizes = [1, 576], strides = [1, 1]} : vector<2x576xf32> to vector<1x576xf32>
    %transpose3A_88 = tpu.transpose %slice3A_87, [1, 0] : vector<1x576xf32> -> vector<576x1xf32>
    %broadcast_in_dim3A_89 = arith.constant 1.000000e+00 : f32
    %broadcast_in_dim3A_90 = vector.broadcast %broadcast_in_dim3A_89 : f32 to vector<576x1xf32>
    %broadcast_in_dim3A_91 = arith.constant 0.000000e+00 : f32
    %broadcast_in_dim3A_92 = vector.broadcast %broadcast_in_dim3A_91 : f32 to vector<576x125xf32>
    %concatenate3A_93 = tpu.concatenate %transpose3A, %transpose3A_88, %broadcast_in_dim3A_90, %broadcast_in_dim3A_92 in 1 : vector<576x1xf32>, vector<576x1xf32>, vector<576x1xf32>, vector<576x125xf32> -> vector<576x128xf32>
    %slice3A_94 = vector.extract_strided_slice %get3A_2 {offsets = [0, 0, 0], sizes = [1, 576, 128], strides = [1, 1, 1]} : vector<2x576x128xf32> to vector<1x576x128xf32>
    %squeeze3A = vector.shape_cast %slice3A_94 : vector<1x576x128xf32> to vector<576x128xf32>
    %mul3A_95 = vector.broadcast %transpose3A : vector<576x1xf32> to vector<576x128xf32>
    %mul3A_96 = arith.mulf %mul3A_95, %squeeze3A : vector<576x128xf32>
    %slice3A_97 = vector.extract_strided_slice %get3A_2 {offsets = [1, 0, 0], sizes = [1, 576, 128], strides = [1, 1, 1]} : vector<2x576x128xf32> to vector<1x576x128xf32>
    %squeeze3A_98 = vector.shape_cast %slice3A_97 : vector<1x576x128xf32> to vector<576x128xf32>
    %mul3A_99 = vector.broadcast %transpose3A_88 : vector<576x1xf32> to vector<576x128xf32>
    %mul3A_100 = arith.mulf %mul3A_99, %squeeze3A_98 : vector<576x128xf32>
    %concatenate3A_101 = tpu.concatenate %mul3A_96, %mul3A_100, %concatenate3A_93 in 0 : vector<576x128xf32>, vector<576x128xf32>, vector<576x128xf32> -> vector<1728x128xf32>
    %swap3A_102 = arith.constant 0 : index
    %swap3A_103 = arith.constant 0 : index
    %swap3A_104 = vector.load %arg2[%swap3A_102, %swap3A_103] : memref<1728x128xf32, #tpu.memory_space<vmem>>, vector<1728x128xf32>
    tpu.vector_store %arg2[%swap3A_102, %swap3A_103], %concatenate3A_101 {strides = array<i32>} : memref<1728x128xf32, #tpu.memory_space<vmem>>, vector<1728x128xf32>,
    %neg3A = arith.constant 0.000000e+00 : f32
    %neg3A_105 = vector.broadcast %neg3A : f32 to vector<2x1xf32>
    %neg3A_106 = arith.subf %neg3A_105, %max3A_6 : vector<2x1xf32>
    %exp3A_107 = math.exp %neg3A_106 : vector<2x1xf32>
    %swap3A_108 = arith.constant 0 : index
    %swap3A_109 = arith.constant 0 : index
    %swap3A_110 = vector.load %arg4[%swap3A_108, %swap3A_109] : memref<2x1xf32, #tpu.memory_space<vmem>>, vector<2x1xf32>
    tpu.vector_store %arg4[%swap3A_108, %swap3A_109], %exp3A_107 {strides = array<i32>} : memref<2x1xf32, #tpu.memory_space<vmem>>, vector<2x1xf32>,
    return
  }
}

module attributes {stable_mosaic.version = 14 : i64} {
  func.func @_finish_body(%arg0: memref<2x432x128xf32, #tpu.memory_space<vmem>>, %arg1: memref<2x1xf32, #tpu.memory_space<vmem>>, %arg2: memref<144x2x128xf32, #tpu.memory_space<vmem>>) attributes {dimension_semantics = [], scalar_prefetch = 0 : i64, scratch_operands = 0 : i64, tpu.core_type = #tpu.core_type<tc>} {
    %get3A = arith.constant 0 : index
    %get3A_0 = arith.constant 0 : index
    %get3A_1 = arith.constant 0 : index
    %get3A_2 = vector.load %arg0[%get3A, %get3A_0, %get3A_1] : memref<2x432x128xf32, #tpu.memory_space<vmem>>, vector<1x432x128xf32>
    %get3A_3 = vector.shape_cast %get3A_2 : vector<1x432x128xf32> to vector<432x128xf32>
    %get3A_4 = arith.constant 1 : index
    %get3A_5 = arith.constant 0 : index
    %get3A_6 = arith.constant 0 : index
    %get3A_7 = vector.load %arg0[%get3A_4, %get3A_5, %get3A_6] : memref<2x432x128xf32, #tpu.memory_space<vmem>>, vector<1x432x128xf32>
    %get3A_8 = vector.shape_cast %get3A_7 : vector<1x432x128xf32> to vector<432x128xf32>
    %add3A = arith.addf %get3A_3, %get3A_8 : vector<432x128xf32>
    %slice3A = vector.extract_strided_slice %add3A {offsets = [288, 0], sizes = [144, 128], strides = [1, 1]} : vector<432x128xf32> to vector<144x128xf32>
    %slice3A_9 = vector.extract_strided_slice %slice3A {offsets = [0, 2], sizes = [144, 1], strides = [1, 1]} : vector<144x128xf32> to vector<144x1xf32>
    %sub3A = arith.constant 5.760000e+02 : f32
    %sub3A_10 = vector.broadcast %sub3A : f32 to vector<144x1xf32>
    %sub3A_11 = arith.subf %sub3A_10, %slice3A_9 : vector<144x1xf32>
    %get3A_12 = arith.constant 0 : index
    %get3A_13 = arith.constant 0 : index
    %get3A_14 = vector.load %arg1[%get3A_12, %get3A_13] : memref<2x1xf32, #tpu.memory_space<vmem>>, vector<2x1xf32>
    %slice3A_15 = vector.extract_strided_slice %slice3A {offsets = [0, 0], sizes = [144, 1], strides = [1, 1]} : vector<144x128xf32> to vector<144x1xf32>
    %slice3A_16 = vector.extract_strided_slice %get3A_14 {offsets = [0, 0], sizes = [1, 1], strides = [1, 1]} : vector<2x1xf32> to vector<1x1xf32>
    %mul3A = vector.broadcast %slice3A_16 : vector<1x1xf32> to vector<144x1xf32>
    %mul3A_17 = arith.mulf %sub3A_11, %mul3A : vector<144x1xf32>
    %add3A_18 = arith.addf %slice3A_15, %mul3A_17 : vector<144x1xf32>
    %slice3A_19 = vector.extract_strided_slice %add3A {offsets = [0, 0], sizes = [144, 128], strides = [1, 1]} : vector<432x128xf32> to vector<144x128xf32>
    %div3A = vector.broadcast %add3A_18 : vector<144x1xf32> to vector<144x128xf32>
    %div3A_20 = arith.divf %slice3A_19, %div3A : vector<144x128xf32>
    %reshape3A = vector.shape_cast %div3A_20 : vector<144x128xf32> to vector<144x1x128xf32>
    %slice3A_21 = vector.extract_strided_slice %slice3A {offsets = [0, 1], sizes = [144, 1], strides = [1, 1]} : vector<144x128xf32> to vector<144x1xf32>
    %slice3A_22 = vector.extract_strided_slice %get3A_14 {offsets = [1, 0], sizes = [1, 1], strides = [1, 1]} : vector<2x1xf32> to vector<1x1xf32>
    %mul3A_23 = vector.broadcast %slice3A_22 : vector<1x1xf32> to vector<144x1xf32>
    %mul3A_24 = arith.mulf %sub3A_11, %mul3A_23 : vector<144x1xf32>
    %add3A_25 = arith.addf %slice3A_21, %mul3A_24 : vector<144x1xf32>
    %slice3A_26 = vector.extract_strided_slice %add3A {offsets = [144, 0], sizes = [144, 128], strides = [1, 1]} : vector<432x128xf32> to vector<144x128xf32>
    %div3A_27 = vector.broadcast %add3A_25 : vector<144x1xf32> to vector<144x128xf32>
    %div3A_28 = arith.divf %slice3A_26, %div3A_27 : vector<144x128xf32>
    %reshape3A_29 = vector.shape_cast %div3A_28 : vector<144x128xf32> to vector<144x1x128xf32>
    %concatenate3A = tpu.concatenate %reshape3A, %reshape3A_29 in 1 : vector<144x1x128xf32>, vector<144x1x128xf32> -> vector<144x2x128xf32>
    %swap3A = arith.constant 0 : index
    %swap3A_30 = arith.constant 0 : index
    %swap3A_31 = arith.constant 0 : index
    %swap3A_32 = vector.load %arg2[%swap3A, %swap3A_30, %swap3A_31] : memref<144x2x128xf32, #tpu.memory_space<vmem>>, vector<144x2x128xf32>
    tpu.vector_store %arg2[%swap3A, %swap3A_30, %swap3A_31], %concatenate3A {strides = array<i32>} : memref<144x2x128xf32, #tpu.memory_space<vmem>>, vector<144x2x128xf32>,
    return
  }
}

</mosaic_0001>

<sc_bundles>
// kernel: kernel.5.cloned.1.call-start
scs
__scs_entry_jumppad:
0x0: {  	(pc) =	sbr.rel $0x88, $3  }
0x1: {  	(tag) =	ssettag $0x0;
	lr =	simm.s32 $0x1  }
0x2: {  	[smem:$0x3F9F] =	sst lr;
	_ =	strace $0xD0000000  }
0x3: {  	_ = 	snop  }
0x4: {  	_ = 	snop  }
0x5: {  	_ = 	snop  }
0x6: {  	_ = 	snop  }
0x7: {  	_ = 	snop  }
__scs_overlays_trampoline_lowered:
0x8: {  	[smem:$0x3FAE] =	sst s0  }
0x9: {  	[smem:$0x3FAF] =	sst s1  }
0xa: {  	[smem:$0x3FB0] =	sst s2  }
0xb: {  	[smem:$0x3FB1] =	sst s3  }
0xc: {  	[smem:$0x3FB2] =	sst s4  }
0xd: {  	[smem:$0x3FB3] =	sst s5  }
0xe: {  	[smem:$0x3FB4] =	sst s6  }
0xf: {  	[smem:$0x3FB5] =	sst s7  }
0x10: {  	[smem:$0x3FB6] =	sst s8  }
0x11: {  	[smem:$0x3FB7] =	sst s9;
	s0 =	simm.s32 @!p0 $0x0  }
0x12: {  	s1 =	sld [smem:$0x3F9D];
	s0 =	simm.s32 @p0 $0x1  }
0x13: {  	[smem:$0x3FB8] =	sst s0;
	s0 =	simm.s32 @!p1 $0x0  }
0x14: {  	s2 =	sld [smem:$0x3F9C];
	s0 =	simm.s32 @p1 $0x1  }
0x15: {  	[smem:$0x3FB9] =	sst s0;
	s0 =	simm.s32 @!p2 $0x0  }
0x16: {  	s3 =	sld [smem:$0x3FDB];
	s0 =	simm.s32 @p2 $0x1  }
0x17: {  	s4 =	simm.s32 $0x1BF5;
	[smem:$0x3FBB] =	sst s0  }
0x18: {  	s0 =	sld [smem:$0x3F9E];
	_ =	swait.ge [sflag:s4], $0x0  }
0x19: {  	s7 =	sld [smem:$0x3F9F]  }
0x1a: {  	s8 =	sadd.s32 $0xFFFFE003, lr  }
0x1b: {  	s9 =	sadd.s32 $0xFFFFFEF7, lr;
	s5 =	simm.s32 $0xFFFFFFFF;
	p2 =	slt.u32 s8, $0xFFFFF086  }
0x1c: {  	p1 =	slt.u32 s9, $0xF7A;
	s5 =	simm.s32 @!p2 $0x0  }
0x1d: {  	s5 =	simm.s32 @p1 $0x1;
	p0 =	seq.s32 s7, s2  }
0x1e: {  	s7 =	smul.u32 @!p0 $0xF7A, s2;
	p2 =	seq.s32 @!p0 s5, $0x0  }
0x1f: {  	s9 =	smul.u32 $0xF7A, s1;
	s8 =	simm.s32 @!p0 $0x1BF5;
	p2 =	por !p2, p0  }
0x20: {  	[sflag:s8] =	ssyncset.s32 @!p0 $0xFFFFF086;
	s6 =	sadd.s32 @!p0 s3, s7;
	s7 =	simm.s32 @!p0 $0x108  }
0x21: {  	s3 =	sadd.s32 s3, s9;
	s6 =	sadd.s32 @!p0 $0x88, s6;
	s7 =	simm.s32 @p2 $0x1082  }
0x22: {  	[simem:s7], [sflag:s8] =	dma.local @!p0 [hbm:s6], $0xF7A  }
0x23: {  	s9 =	sor.u32 $0xD0000000, s2;
	s6 =	simm.s32 $0x108;
	_ =	swait.ge @!p0 [sflag:s8], $0x0  }
0x24: {  	s3 =	sadd.s32 $0x88, s3;
	s6 =	simm.s32 @!p1 $0x1082;
	[sflag:s4] =	ssyncset.s32 $0xFFFFF086  }
0x25: {  	[simem:s6], [sflag:s4] =	dma.local [hbm:s3], $0xF7A  }
0x26: {  	[smem:$0x3F9F] =	sst s1;
	(tag) =	ssettag s2;
	_ =	strace s9  }
0x27: {  	s1 =	sld [smem:$0x3FAF]  }
0x28: {  	s2 =	sld [smem:$0x3FB0]  }
0x29: {  	s4 =	sld [smem:$0x3FB2]  }
0x2a: {  	p0 =	seq.s32 s5, $0x0;
	s5 =	sld [smem:$0x3FB3]  }
0x2b: {  	s6 =	sld [smem:$0x3FB4]  }
0x2c: {  	s7 =	sld [smem:$0x3FB5]  }
0x2d: {  	s3 =	simm.s32 $0x108;
	s8 =	sld [smem:$0x3FB6]  }
0x2e: {  	s3 =	simm.s32 @!p0 $0x1082;
	s9 =	sld [smem:$0x3FB7]  }
0x2f: {  	lr =	sadd.s32 s0, s3;
	s0 =	sld [smem:$0x3FAE]  }
0x30: {  	s3 =	sld [smem:$0x3FB1]  }
0x31: {  	[smem:$0x3FBA] =	sst s10  }
0x32: {  	s10 =	sld [smem:$0x3FB8];
	_ =	sdelay $0x3  }
0x33: {  	p0 =	seq.s32 s10, $0x1;
	s10 =	sld [smem:$0x3FBA];
	_ =	sdelay $0x3  }
0x34: {  	[smem:$0x3FBA] =	sst s10  }
0x35: {  	s10 =	sld [smem:$0x3FB9];
	_ =	sdelay $0x3  }
0x36: {  	p1 =	seq.s32 s10, $0x1;
	s10 =	sld [smem:$0x3FBA];
	_ =	sdelay $0x3  }
0x37: {  	[smem:$0x3FBA] =	sst s10  }
0x38: {  	s10 =	sld [smem:$0x3FBB]  }
0x39: {  	_ = 	snop;
	(pc) =	sbr.ind lr, $3  }
0x3a: {  	_ = 	snop  }
0x3b: {  	_ = 	snop  }
0x3c: {  	p2 =	seq.s32 s10, $0x1;
	s10 =	sld [smem:$0x3FBA]  }
0x3d: {  	_ =	shalt  }
0x3e: {  	_ =	shalt  }
0x3f: {  	_ =	shalt  }
0x40: {  	_ =	shalt  }
0x41: {  	_ =	shalt  }
0x42: {  	_ =	shalt  }
0x43: {  	_ =	shalt  }
0x44: {  	_ =	shalt  }
0x45: {  	_ =	shalt  }
0x46: {  	_ =	shalt  }
0x47: {  	_ =	shalt  }
0x48: {  	_ =	shalt  }
0x49: {  	_ =	shalt  }
0x4a: {  	_ =	shalt  }
0x4b: {  	_ =	shalt  }
0x4c: {  	_ =	shalt  }
0x4d: {  	_ =	shalt  }
0x4e: {  	_ =	shalt  }
0x4f: {  	_ =	shalt  }
0x50: {  	_ =	shalt  }
0x51: {  	_ =	shalt  }
0x52: {  	_ =	shalt  }
0x53: {  	_ =	shalt  }
0x54: {  	_ =	shalt  }
0x55: {  	_ =	shalt  }
0x56: {  	_ =	shalt  }
0x57: {  	_ =	shalt  }
0x58: {  	_ =	shalt  }
0x59: {  	_ =	shalt  }
0x5a: {  	_ =	shalt  }
0x5b: {  	_ =	shalt  }
0x5c: {  	_ =	shalt  }
0x5d: {  	_ =	shalt  }
0x5e: {  	_ =	shalt  }
0x5f: {  	_ =	shalt  }
0x60: {  	_ =	shalt  }
0x61: {  	_ =	shalt  }
0x62: {  	_ =	shalt  }
0x63: {  	_ =	shalt  }
0x64: {  	_ =	shalt  }
0x65: {  	_ =	shalt  }
0x66: {  	_ =	shalt  }
0x67: {  	_ =	shalt  }
0x68: {  	_ =	shalt  }
0x69: {  	_ =	shalt  }
0x6a: {  	_ =	shalt  }
0x6b: {  	_ =	shalt  }
0x6c: {  	_ =	shalt  }
0x6d: {  	_ =	shalt  }
0x6e: {  	_ =	shalt  }
0x6f: {  	_ =	shalt  }
0x70: {  	_ =	shalt  }
0x71: {  	_ =	shalt  }
0x72: {  	_ =	shalt  }
0x73: {  	_ =	shalt  }
0x74: {  	_ =	shalt  }
0x75: {  	_ =	shalt  }
0x76: {  	_ =	shalt  }
0x77: {  	_ =	shalt  }
0x78: {  	_ =	shalt  }
0x79: {  	_ =	shalt  }
0x7a: {  	_ =	shalt  }
0x7b: {  	_ =	shalt  }
0x7c: {  	_ =	shalt  }
0x7d: {  	_ =	shalt  }
0x7e: {  	_ =	shalt  }
0x7f: {  	_ =	shalt  }
0x80: {  	_ =	shalt  }
0x81: {  	_ =	shalt  }
0x82: {  	_ =	shalt  }
0x83: {  	_ =	shalt  }
0x84: {  	_ =	shalt  }
0x85: {  	_ =	shalt  }
0x86: {  	_ =	shalt  }
0x87: {  	_ =	shalt  }
.Lfunc_end0:
.L_simem_size_0:
called_computation_lowered:
.L_overlay_start_0:
0x88: {  	s2 =	sld [smem:$0x3FD9]  }
0x89: {  	s3 =	sld [smem:$0x3FFE];
	_ =	sdelay $0x1  }
0x8a: {  	s1 =	srdreg.scid  }
0x8b: {  	s0 =	sand.u32 $0x1, s1  }
0x8c: {  	s17 =	sshll.u32 s0, $0xA;
	s2 =	sadd.s32 s3, s2  }
0x8d: {  	s2 =	sadd.s32 s2, s17  }
0x8e: {  	[smem:$0x3FC6] =	sst s2  }
0x8f: {  	_ = 	snop  }
0x90: {  	s2 =	sld [smem:$0x3FD0];
	(tm) =	ssettm $0x1  }
0x91: {  	s18 =	sld [smem:$0x3FFB];
	_ =	sdelay $0x3  }
0x92: {  	_ =	strace s18  }
0x93: {  	s3 =	sld [smem:$0x3FFC];
	_ =	sdelay $0x3  }
0x94: {  	_ =	strace s3  }
0x95: {  	s3 =	sld [smem:$0x3FFD];
	_ =	sdelay $0x3  }
0x96: {  	_ =	strace s3  }
0x97: {  	_ =	strace $0x8FFFFFFF  }
0x98: {  	s19 =	sld [smem:$0x3FDB];
	_ =	sdelay $0x1  }
0x99: {  	s4 =	simm.s32 $_scs_section_size  }
0x9a: {  	s5 =	simm.s32 $_size__tile_overlayer_lowered;
	s6 =	simm.s32 $_tile_overlayer_lowered  }
0x9b: {  	s22 =	simm.s32 $0x1BFF;
	s21 =	sshll.u32 s6, $0x1;
	s3 =	sadd.s32 s4, s19  }
0x9c: {  	s7 =	simm.s32 $0x0;
	s20 =	sshll.u32 s5, $0x1;
	s5 =	sadd.s32 s21, s3  }
0x9d: {  	[timem:s7], [sflag:s22] =	dma.local [hbm:s5], s20  }
0x9e: {  	_ =	swait.ge [sflag:s22], s20  }
0x9f: {  	s4 =	ssub.s32 $0x0, s20;
	[sflag:s22] =	ssyncset.done $0x0  }
0xa0: {  	[sflag:s22] =	ssyncadd.s32 s4;
	_ =	sdelay $0x1  }
0xa1: {  	s23 =	simm.s32 $0x1B8B  }
0xa2: {  	_ =	swait.ge [sflag:s23], $0x1  }
0xa3: {  	[sflag:s23] =	ssyncset.done $0x0  }
0xa4: {  	s25 =	simm.s32 $0x1B8E;
	s24 =	sld [smem:$0x3FFE];
	[sflag:s23] =	ssyncadd.s32 $0xFFFFFFFF  }
0xa5: {  	s26 =	simm.s32 $execute0_lowered;
	[smem:$0x3FD2] =	sst s25  }
0xa6: {  	s5 =	sshll.u32 s26, $0x1;
	_ =	strace $0x80000046;
	[dreg:$0x1] =	wrdreg $0xFFFFFFFF  }
0xa7: {  	s28 =	simm.s32 $_size_execute0_lowered;
	s3 =	sadd.s32 s3, s5;
	[dreg:$0x0] =	wrdreg $0x0  }
0xa8: {  	s5 =	sshll.u32 s28, $0x1;
	[dreg:$0x2] =	wrdreg s3  }
0xa9: {  	[dreg:$0x3] =	wrdreg s5  }
0xaa: {  	[dreg:$0x4] =	wrdreg $0xC0  }
0xab: {  	_ =	task [dreg:s7], $0x5FFFF  }
0xac: {  	[dreg:$0x1] =	wrdreg $0xFFFFFFFF  }
0xad: {  	[dreg:$0x0] =	wrdreg $0x60  }
0xae: {  	[dreg:$0x2] =	wrdreg s24  }
0xaf: {  	[dreg:$0x3] =	wrdreg s2  }
0xb0: {  	[dreg:$0x4] =	wrdreg $0x31C80  }
0xb1: {  	[dreg:$0x5] =	wrdreg $0x9  }
0xb2: {  	_ =	task.clear_ibuf [dreg:s7], $0x6FFFF;
	_ =	strace $0x90000046  }
0xb3: {  	s29 =	simm.s32 $0x9;
	_ =	strace $0x80000048  }
0xb4: {  	_ =	swait.ge [sflag:s29], $0x1  }
0xb5: {  	[sflag:s29] =	ssyncadd.s32 $0xFFFFFFFF  }
0xb6: {  	_ =	strace $0x90000048  }
0xb7: {  	_ =	sfence  }
0xb8: {  	s30 =	sld [smem:$0x0];
	_ =	sdelay $0x2  }
0xb9: {  	s31 =	sshll.u32 s1, $0xD;
	s1 =	sshrl.u32 s1, $0x2  }
0xba: {  	s3 =	sand.u32 $0x4000, s31;
	s1 =	sadd.s32 s1, s30  }
0xbb: {  	s0 =	sor.u32 s3, s0;
	s1 =	sshll.u32 s1, $0x11  }
0xbc: {  	s0 =	sor.u32 s1, s0  }
0xbd: {  	s0 =	sadd.s32 $0x8F2B, s0  }
0xbe: {  	[sflag:s0] =	ssyncadd.remote.s32 $0x1  }
0xbf: {  	_ =	sfence.sel $0xFFFF  }
0xc0: {  	[dreg:$0x0] =	wrdreg $0xFFFFFFFF;
	(pc) =	sbr.abs _section_cstart, $3  }
0xc1: {  	[dreg:$0x1] =	wrdreg $0xFFFFFFFF  }
0xc2: {  	_ =	task.clear_ibuf [dreg:s7], $0x2FFFF;
	_ =	strace $0x9FFFFFFF  }
0xc3: {  	(tm) =	ssettm $0x7FFFFFFF  }
tec
execute0_lowered:
.L_overlay_start_1:
0x0: {  	(tag) =	ssettag $0x1  }
0x1: {  	s3 =	rddreg [dreg:$0x0]  }
0x2: {  	s7 =	rddreg [dreg:$0x1];
	s1 =	srdreg.scid  }
0x3: {  	s0 =	stileid.u32;
	s2 =	rddreg [dreg:$0x2];
	s5 =	simm.s32 $0x0  }
0x4: {  	s4 =	sand.u32 $0x1, s1;
	s9 =	smul.u32 $0xD80, s0;
	s1 =	rddreg [dreg:$0x3]  }
0x5: {  	[smem:$0x7FF] =	sst s5;
	s23 =	sshll.u32 s0, $0x1;
	s10 =	sadd.s32 $0x1000, s3  }
0x6: {  	p0 =	sgt.u32 s0, $0xB;
	s6 =	smul.u32 $0xD800, s4;
	s5 =	sor.u32 s4, s23  }
0x7: {  	s31 =	sshll.u32 s0, $0x6;
	s4 =	ssub.s32 $0x2, s4;
	s8 =	smul.u32 $0x18, s5  }
0x8: {  	_ =	strace $0x80000047;
	s24 =	sshrl.u32 s4, $0x1;
	s5 =	smul.u32 $0x180, s5  }
0x9: {  	s6 =	sadd.s32 s9, s6;
	s13 =	ssub.s32 s4, s24;
	s9 =	sadd.s32 s9, s2  }
0xa: {  	s6 =	sshrl.u32 s6, $0x3;
	s25 =	sshrl.u32 s8, $0x3;
	s12 =	sadd.s32 $0x240, s8  }
0xb: {  	s4 =	sadd.s32 s10, s5;
	s28 =	sadd.s32 $0x480, s8;
	s15 =	sshrl.u32 s9, $0x3  }
0xc: {  	s11 =	sadd.s32 s6, s3;
	s3 =	sadd.s32 s7, s25;
	s26 =	sshrl.u32 s12, $0x3  }
0xd: {  	s29 =	sshll.u32 s12, $0x4;
	s30 =	sshrl.u32 s28, $0x3;
	s14 =	sshll.u32 s28, $0x4  }
0xe: {  	s12 =	simm.s32 $0x2448;
	s5 =	sadd.s32 s7, s26;
	s6 =	sadd.s32 s10, s29  }
0xf: {  	s7 =	sadd.s32 s7, s30;
	s8 =	sadd.s32 s10, s14;
	s10 =	sadd.s32 $0x7C00, s11  }
0x10: {  	v0 =	vimm.f32 $0.0e+00;
	s11 =	smax.u32 s13, $0x1;
	s13 =	simm.s32 $0x2;
	s14 =	sor.u32 $0x1C02, s31  }
.LBB2_1:
0x11: {  	s16 =	simm.s32 @!p0 $0x0  }
0x12: {  	[tilespmem:s16], [sflag:$0x1] =	stream.linear.gather @!p0 [hbm4b:s3+s16], $0x18, $0x38;
	[tilespmem:$0x3F48] =	vst v63  }
0x13: {  	s17 =	simm.s32 @!p0 $0x48  }
0x14: {  	[tilespmem:s17], [sflag:$0x1] =	stream.linear.gather @!p0 [hbm4b:s4+s16], $0xC00, $0x38;
	[tilespmem:$0x3F48] =	vst v63  }
0x15: {  	s18 =	simm.s32 @!p0 $0x18  }
0x16: {  	[tilespmem:s18], [sflag:$0x1] =	stream.linear.gather @!p0 [hbm4b:s5+s16], $0x18, $0x38;
	[tilespmem:$0x3F48] =	vst v63  }
0x17: {  	s18 =	simm.s32 @!p0 $0xC48  }
0x18: {  	[tilespmem:s18], [sflag:$0x1] =	stream.linear.gather @!p0 [hbm4b:s6+s16], $0xC00, $0x38;
	[tilespmem:$0x3F48] =	vst v63  }
0x19: {  	s18 =	simm.s32 @!p0 $0x30  }
0x1a: {  	[tilespmem:s18], [sflag:$0x1] =	stream.linear.gather @!p0 [hbm4b:s7+s16], $0x18, $0x38;
	[tilespmem:$0x3F48] =	vst v63  }
0x1b: {  	s18 =	simm.s32 @!p0 $0x1848  }
0x1c: {  	[tilespmem:s18], [sflag:$0x1] =	stream.linear.gather @!p0 [hbm4b:s8+s16], $0xC00, $0x38;
	[tilespmem:$0x3F48] =	vst v63  }
0x1d: {  	[tilespmem:$0x2448] =	vst v0  }
0x1e: {  	[tilespmem:$0x2458] =	vst v0  }
0x1f: {  	[tilespmem:$0x2468] =	vst v0  }
0x20: {  	[tilespmem:$0x2478] =	vst v0  }
0x21: {  	[tilespmem:$0x2488] =	vst v0  }
0x22: {  	[tilespmem:$0x2498] =	vst v0  }
0x23: {  	[tilespmem:$0x24A8] =	vst v0  }
0x24: {  	[tilespmem:$0x24B8] =	vst v0  }
0x25: {  	[tilespmem:$0x24C8] =	vst v0  }
0x26: {  	[tilespmem:$0x24D8] =	vst v0  }
0x27: {  	[tilespmem:$0x24E8] =	vst v0  }
0x28: {  	[tilespmem:$0x24F8] =	vst v0  }
0x29: {  	[tilespmem:$0x2508] =	vst v0  }
0x2a: {  	[tilespmem:$0x2518] =	vst v0  }
0x2b: {  	[tilespmem:$0x2528] =	vst v0  }
0x2c: {  	[tilespmem:$0x2538] =	vst v0  }
0x2d: {  	[tilespmem:$0x2548] =	vst v0  }
0x2e: {  	[tilespmem:$0x2558] =	vst v0  }
0x2f: {  	[tilespmem:$0x2568] =	vst v0  }
0x30: {  	[tilespmem:$0x2578] =	vst v0  }
0x31: {  	[tilespmem:$0x2588] =	vst v0  }
0x32: {  	[tilespmem:$0x2598] =	vst v0  }
0x33: {  	[tilespmem:$0x25A8] =	vst v0  }
0x34: {  	[tilespmem:$0x25B8] =	vst v0  }
0x35: {  	[tilespmem:$0x25C8] =	vst v0  }
0x36: {  	[tilespmem:$0x25D8] =	vst v0  }
0x37: {  	[tilespmem:$0x25E8] =	vst v0  }
0x38: {  	[tilespmem:$0x25F8] =	vst v0  }
0x39: {  	[tilespmem:$0x2608] =	vst v0  }
0x3a: {  	[tilespmem:$0x2618] =	vst v0  }
0x3b: {  	[tilespmem:$0x2628] =	vst v0  }
0x3c: {  	[tilespmem:$0x2638] =	vst v0  }
0x3d: {  	[tilespmem:$0x2648] =	vst v0  }
0x3e: {  	[tilespmem:$0x2658] =	vst v0  }
0x3f: {  	[tilespmem:$0x2668] =	vst v0  }
0x40: {  	[tilespmem:$0x2678] =	vst v0  }
0x41: {  	[tilespmem:$0x2688] =	vst v0  }
0x42: {  	[tilespmem:$0x2698] =	vst v0  }
0x43: {  	[tilespmem:$0x26A8] =	vst v0  }
0x44: {  	[tilespmem:$0x26B8] =	vst v0  }
0x45: {  	[tilespmem:$0x26C8] =	vst v0  }
0x46: {  	[tilespmem:$0x26D8] =	vst v0  }
0x47: {  	[tilespmem:$0x26E8] =	vst v0  }
0x48: {  	[tilespmem:$0x26F8] =	vst v0  }
0x49: {  	[tilespmem:$0x2708] =	vst v0  }
0x4a: {  	[tilespmem:$0x2718] =	vst v0  }
0x4b: {  	[tilespmem:$0x2728] =	vst v0  }
0x4c: {  	[tilespmem:$0x2738] =	vst v0  }
0x4d: {  	[tilespmem:$0x2748] =	vst v0  }
0x4e: {  	[tilespmem:$0x2758] =	vst v0  }
0x4f: {  	[tilespmem:$0x2768] =	vst v0  }
0x50: {  	[tilespmem:$0x2778] =	vst v0  }
0x51: {  	[tilespmem:$0x2788] =	vst v0  }
0x52: {  	[tilespmem:$0x2798] =	vst v0  }
0x53: {  	[tilespmem:$0x27A8] =	vst v0  }
0x54: {  	[tilespmem:$0x27B8] =	vst v0  }
0x55: {  	[tilespmem:$0x27C8] =	vst v0  }
0x56: {  	[tilespmem:$0x27D8] =	vst v0  }
0x57: {  	[tilespmem:$0x27E8] =	vst v0  }
0x58: {  	[tilespmem:$0x27F8] =	vst v0  }
0x59: {  	[tilespmem:$0x2808] =	vst v0  }
0x5a: {  	[tilespmem:$0x2818] =	vst v0  }
0x5b: {  	[tilespmem:$0x2828] =	vst v0  }
0x5c: {  	[tilespmem:$0x2838] =	vst v0  }
0x5d: {  	[tilespmem:$0x2848] =	vst v0  }
0x5e: {  	[tilespmem:$0x2858] =	vst v0  }
0x5f: {  	[tilespmem:$0x2868] =	vst v0  }
0x60: {  	[tilespmem:$0x2878] =	vst v0  }
0x61: {  	[tilespmem:$0x2888] =	vst v0  }
0x62: {  	[tilespmem:$0x2898] =	vst v0  }
0x63: {  	[tilespmem:$0x28A8] =	vst v0  }
0x64: {  	[tilespmem:$0x28B8] =	vst v0  }
0x65: {  	[tilespmem:$0x28C8] =	vst v0  }
0x66: {  	[tilespmem:$0x28D8] =	vst v0  }
0x67: {  	[tilespmem:$0x28E8] =	vst v0  }
0x68: {  	[tilespmem:$0x28F8] =	vst v0  }
0x69: {  	[tilespmem:$0x2908] =	vst v0  }
0x6a: {  	[tilespmem:$0x2918] =	vst v0  }
0x6b: {  	[tilespmem:$0x2928] =	vst v0  }
0x6c: {  	[tilespmem:$0x2938] =	vst v0  }
0x6d: {  	[tilespmem:$0x2948] =	vst v0  }
0x6e: {  	[tilespmem:$0x2958] =	vst v0  }
0x6f: {  	[tilespmem:$0x2968] =	vst v0  }
0x70: {  	[tilespmem:$0x2978] =	vst v0  }
0x71: {  	[tilespmem:$0x2988] =	vst v0  }
0x72: {  	[tilespmem:$0x2998] =	vst v0  }
0x73: {  	[tilespmem:$0x29A8] =	vst v0  }
0x74: {  	[tilespmem:$0x29B8] =	vst v0  }
0x75: {  	[tilespmem:$0x29C8] =	vst v0  }
0x76: {  	[tilespmem:$0x29D8] =	vst v0  }
0x77: {  	[tilespmem:$0x29E8] =	vst v0  }
0x78: {  	[tilespmem:$0x29F8] =	vst v0  }
0x79: {  	[tilespmem:$0x2A08] =	vst v0  }
0x7a: {  	[tilespmem:$0x2A18] =	vst v0  }
0x7b: {  	[tilespmem:$0x2A28] =	vst v0  }
0x7c: {  	[tilespmem:$0x2A38] =	vst v0  }
0x7d: {  	[tilespmem:$0x2A48] =	vst v0  }
0x7e: {  	[tilespmem:$0x2A58] =	vst v0  }
0x7f: {  	[tilespmem:$0x2A68] =	vst v0  }
0x80: {  	[tilespmem:$0x2A78] =	vst v0  }
0x81: {  	[tilespmem:$0x2A88] =	vst v0  }
0x82: {  	[tilespmem:$0x2A98] =	vst v0  }
0x83: {  	[tilespmem:$0x2AA8] =	vst v0  }
0x84: {  	[tilespmem:$0x2AB8] =	vst v0  }
0x85: {  	[tilespmem:$0x2AC8] =	vst v0  }
0x86: {  	[tilespmem:$0x2AD8] =	vst v0  }
0x87: {  	[tilespmem:$0x2AE8] =	vst v0  }
0x88: {  	[tilespmem:$0x2AF8] =	vst v0  }
0x89: {  	[tilespmem:$0x2B08] =	vst v0  }
0x8a: {  	[tilespmem:$0x2B18] =	vst v0  }
0x8b: {  	[tilespmem:$0x2B28] =	vst v0  }
0x8c: {  	[tilespmem:$0x2B38] =	vst v0  }
0x8d: {  	[tilespmem:$0x2B48] =	vst v0  }
0x8e: {  	[tilespmem:$0x2B58] =	vst v0  }
0x8f: {  	[tilespmem:$0x2B68] =	vst v0  }
0x90: {  	[tilespmem:$0x2B78] =	vst v0  }
0x91: {  	[tilespmem:$0x2B88] =	vst v0  }
0x92: {  	[tilespmem:$0x2B98] =	vst v0  }
0x93: {  	[tilespmem:$0x2BA8] =	vst v0  }
0x94: {  	[tilespmem:$0x2BB8] =	vst v0  }
0x95: {  	[tilespmem:$0x2BC8] =	vst v0  }
0x96: {  	[tilespmem:$0x2BD8] =	vst v0  }
0x97: {  	[tilespmem:$0x2BE8] =	vst v0  }
0x98: {  	[tilespmem:$0x2BF8] =	vst v0  }
0x99: {  	[tilespmem:$0x2C08] =	vst v0  }
0x9a: {  	[tilespmem:$0x2C18] =	vst v0  }
0x9b: {  	[tilespmem:$0x2C28] =	vst v0  }
0x9c: {  	[tilespmem:$0x2C38] =	vst v0  }
0x9d: {  	[tilespmem:$0x2C48] =	vst v0  }
0x9e: {  	[tilespmem:$0x2C58] =	vst v0  }
0x9f: {  	[tilespmem:$0x2C68] =	vst v0  }
0xa0: {  	[tilespmem:$0x2C78] =	vst v0  }
0xa1: {  	[tilespmem:$0x2C88] =	vst v0  }
0xa2: {  	[tilespmem:$0x2C98] =	vst v0  }
0xa3: {  	[tilespmem:$0x2CA8] =	vst v0  }
0xa4: {  	[tilespmem:$0x2CB8] =	vst v0  }
0xa5: {  	[tilespmem:$0x2CC8] =	vst v0  }
0xa6: {  	[tilespmem:$0x2CD8] =	vst v0  }
0xa7: {  	[tilespmem:$0x2CE8] =	vst v0  }
0xa8: {  	[tilespmem:$0x2CF8] =	vst v0  }
0xa9: {  	[tilespmem:$0x2D08] =	vst v0  }
0xaa: {  	[tilespmem:$0x2D18] =	vst v0  }
0xab: {  	[tilespmem:$0x2D28] =	vst v0  }
0xac: {  	[tilespmem:$0x2D38] =	vst v0  }
0xad: {  	[tilespmem:$0x2D48] =	vst v0  }
0xae: {  	[tilespmem:$0x2D58] =	vst v0  }
0xaf: {  	[tilespmem:$0x2D68] =	vst v0  }
0xb0: {  	[tilespmem:$0x2D78] =	vst v0  }
0xb1: {  	[tilespmem:$0x2D88] =	vst v0  }
0xb2: {  	[tilespmem:$0x2D98] =	vst v0  }
0xb3: {  	[tilespmem:$0x2DA8] =	vst v0  }
0xb4: {  	[tilespmem:$0x2DB8] =	vst v0  }
0xb5: {  	[tilespmem:$0x2DC8] =	vst v0  }
0xb6: {  	[tilespmem:$0x2DD8] =	vst v0  }
0xb7: {  	[tilespmem:$0x2DE8] =	vst v0  }
0xb8: {  	[tilespmem:$0x2DF8] =	vst v0  }
0xb9: {  	[tilespmem:$0x2E08] =	vst v0  }
0xba: {  	[tilespmem:$0x2E18] =	vst v0  }
0xbb: {  	[tilespmem:$0x2E28] =	vst v0  }
0xbc: {  	[tilespmem:$0x2E38] =	vst v0  }
0xbd: {  	[tilespmem:$0x2E48] =	vst v0  }
0xbe: {  	[tilespmem:$0x2E58] =	vst v0  }
0xbf: {  	[tilespmem:$0x2E68] =	vst v0  }
0xc0: {  	[tilespmem:$0x2E78] =	vst v0  }
0xc1: {  	[tilespmem:$0x2E88] =	vst v0  }
0xc2: {  	[tilespmem:$0x2E98] =	vst v0  }
0xc3: {  	[tilespmem:$0x2EA8] =	vst v0  }
0xc4: {  	[tilespmem:$0x2EB8] =	vst v0  }
0xc5: {  	[tilespmem:$0x2EC8] =	vst v0  }
0xc6: {  	[tilespmem:$0x2ED8] =	vst v0  }
0xc7: {  	[tilespmem:$0x2EE8] =	vst v0  }
0xc8: {  	[tilespmem:$0x2EF8] =	vst v0  }
0xc9: {  	[tilespmem:$0x2F08] =	vst v0  }
0xca: {  	[tilespmem:$0x2F18] =	vst v0  }
0xcb: {  	[tilespmem:$0x2F28] =	vst v0  }
0xcc: {  	[tilespmem:$0x2F38] =	vst v0  }
0xcd: {  	[tilespmem:$0x2F48] =	vst v0  }
0xce: {  	[tilespmem:$0x2F58] =	vst v0  }
0xcf: {  	[tilespmem:$0x2F68] =	vst v0  }
0xd0: {  	[tilespmem:$0x2F78] =	vst v0  }
0xd1: {  	[tilespmem:$0x2F88] =	vst v0  }
0xd2: {  	[tilespmem:$0x2F98] =	vst v0  }
0xd3: {  	[tilespmem:$0x2FA8] =	vst v0  }
0xd4: {  	[tilespmem:$0x2FB8] =	vst v0  }
0xd5: {  	[tilespmem:$0x2FC8] =	vst v0  }
0xd6: {  	[tilespmem:$0x2FD8] =	vst v0  }
0xd7: {  	[tilespmem:$0x2FE8] =	vst v0  }
0xd8: {  	[tilespmem:$0x2FF8] =	vst v0  }
0xd9: {  	[tilespmem:$0x3008] =	vst v0  }
0xda: {  	[tilespmem:$0x3018] =	vst v0  }
0xdb: {  	[tilespmem:$0x3028] =	vst v0  }
0xdc: {  	[tilespmem:$0x3038] =	vst v0  }
0xdd: {  	[tilespmem:$0x3048] =	vst v0  }
0xde: {  	[tilespmem:$0x3058] =	vst v0  }
0xdf: {  	[tilespmem:$0x3068] =	vst v0  }
0xe0: {  	[tilespmem:$0x3078] =	vst v0  }
0xe1: {  	[tilespmem:$0x3088] =	vst v0  }
0xe2: {  	[tilespmem:$0x3098] =	vst v0  }
0xe3: {  	[tilespmem:$0x30A8] =	vst v0  }
0xe4: {  	[tilespmem:$0x30B8] =	vst v0  }
0xe5: {  	[tilespmem:$0x30C8] =	vst v0  }
0xe6: {  	[tilespmem:$0x30D8] =	vst v0  }
0xe7: {  	[tilespmem:$0x30E8] =	vst v0  }
0xe8: {  	[tilespmem:$0x30F8] =	vst v0  }
0xe9: {  	[tilespmem:$0x3108] =	vst v0  }
0xea: {  	[tilespmem:$0x3118] =	vst v0  }
0xeb: {  	[tilespmem:$0x3128] =	vst v0  }
0xec: {  	[tilespmem:$0x3138] =	vst v0  }
0xed: {  	[tilespmem:$0x3148] =	vst v0  }
0xee: {  	[tilespmem:$0x3158] =	vst v0  }
0xef: {  	[tilespmem:$0x3168] =	vst v0  }
0xf0: {  	[tilespmem:$0x3178] =	vst v0  }
0xf1: {  	[tilespmem:$0x3188] =	vst v0  }
0xf2: {  	[tilespmem:$0x3198] =	vst v0  }
0xf3: {  	[tilespmem:$0x31A8] =	vst v0  }
0xf4: {  	[tilespmem:$0x31B8] =	vst v0  }
0xf5: {  	[spmem:s9] =	stream.linear.scatter [tilespmem:s12], [sflag:$0x2], $0xD80, $0x38;
	[tilespmem:$0x3F48] =	vst v63  }
0xf6: {  	_ =	swait.ge [sflag:s13], $0xD80  }
0xf7: {  	[sflag:s13] =	ssyncset.done $0x0  }
0xf8: {  	[sflag:s13] =	ssyncadd.s32 $0xFFFFF280  }
0xf9: {  	s18 =	simm.s32 @!p0 $0x1;
	[bflag:$0x0] =	sbarrier.arrive $0xFFFF  }
0xfa: {  	_ =	swait.ge @!p0 [sflag:s18], $0x18  }
0xfb: {  	[sflag:s18] =	ssyncset.done @!p0 $0x0  }
0xfc: {  	[sflag:s18] =	ssyncadd.s32 @!p0 $0xFFFFFFE8  }
0xfd: {  	_ =	swait.ge @!p0 [sflag:s18], $0xC00  }
0xfe: {  	[sflag:s18] =	ssyncset.done @!p0 $0x0  }
0xff: {  	[sflag:s18] =	ssyncadd.s32 @!p0 $0xFFFFF400  }
0x100: {  	_ =	swait.ge @!p0 [sflag:s18], $0x30  }
0x101: {  	[sflag:s18] =	ssyncset.done @!p0 $0x0  }
0x102: {  	[sflag:s18] =	ssyncadd.s32 @!p0 $0xFFFFFFD0  }
0x103: {  	_ =	swait.ge @!p0 [sflag:s18], $0x1800  }
0x104: {  	[sflag:s18] =	ssyncset.done @!p0 $0x0  }
0x105: {  	[sflag:s18] =	ssyncadd.s32 @!p0 $0xFFFFE800  }
0x106: {  	[spmem:s2] =	stream.indirect.scatter.add.f32 @!p0 [tilespmem:s17], [sflag:$0x2], $0x80, s16, s17, $0xb8;
	[tilespmem:$0x3F48] =	vst v63  }
0x107: {  	s16 =	simm.s32 @!p0 $0x2  }
0x108: {  	_ =	swait.ge @!p0 [sflag:s16], $0x2400  }
0x109: {  	s11 =	sadd.s32 $0xFFFFFFFF, s11;
	[sflag:s16] =	ssyncset.done @!p0 $0x0  }
0x10a: {  	p1 =	sne.s32 s11, $0x0;
	[sflag:s16] =	ssyncadd.s32 @!p0 $0xFFFFDC00  }
.Ltmp0:
0x10b: {  	[bflag:$0x0] =	sbarrier.arrive $0xFFFF;
	(pc) =	sbr.rel @p1 .LBB2_1-.Ltmp0, $4  }
0x10c: {  	[hbm:s10], [sflag:s14] =	dma.local [spmem:s15], $0x1B0  }
0x10d: {  	_ =	swait.ge [sflag:s13], $0x1B0  }
0x10e: {  	[sflag:s13] =	ssyncset.done $0x0  }
0x10f: {  	[sflag:s13] =	ssyncadd.s32 $0xFFFFFE50  }
0x110: {  	_ =	sfence.sel $0x180000  }
0x111: {  	[bflag:$0x0] =	sbarrier.arrive $0xFFFF  }
0x112: {  	p0 =	sne.s32 s0, $0x0;
	_ =	strace $0x90000047  }
0x113: {  	s0 =	sadd.s32 @!p0 $0x100000, s1;
	[bflag:$0x2] =	sbarrier.arrive $0xFFFF  }
0x114: {  	[sflag:s0] =	ssyncadd.tile.s32 @!p0 $0x1;
	_ =	shalt  }
.Lfunc_end2:
_tile_overlayer_lowered:
.L_overlay_start_2:
0x115: {  	(tag) =	ssettag $0x2  }
0x116: {  	s0 =	rddreg [dreg:$0x0];
	s2 =	stileid.u32  }
0x117: {  	s1 =	rddreg [dreg:$0x1];
	p0 =	sne.s32 s2, $0x0  }
0x118: {  	s3 =	rddreg [dreg:$0x2];
	[bflag:$0x3] =	sbarrier.arrive $0xFFFF;
	s2 =	simm.s32 @!p0 $0x1C02  }
0x119: {  	[timem:s3], [sflag:s2] =	dma.local @!p0 [hbm:s0], s1  }
0x11a: {  	s0 =	simm.s32 @!p0 $0x2  }
0x11b: {  	_ =	swait.ge @!p0 [sflag:s0], s1  }
0x11c: {  	s1 =	ssub.s32 @!p0 $0x0, s1;
	[sflag:s0] =	ssyncset.done @!p0 $0x0  }
0x11d: {  	[sflag:s0] =	ssyncadd.s32 @!p0 s1  }
0x11e: {  	[bflag:$0x3] =	sbarrier.arrive $0xFFFF  }
0x11f: {  	_ =	shalt  }

</sc_bundles>
